<compile_context>
chip_gen: v7x
topology: tpu7x:2x2x1
jax: 0.10.2.dev20260603
libtpu: 0.0.44.dev20260713+nightly
codegen_flags: <defaults>
</compile_context>

<pallas_src>
import functools

import jax
import jax.numpy as jnp
from jax import lax
from jax.experimental import pallas as pl
from jax.experimental.pallas import tpu as pltpu
from jax.experimental.pallas import tpu_sc as plsc

N = 10000
E = 320000
IN_F = 128
H = 256
HH = 128
OUT_F = 16
EPS = 1e-5

NC = 2
NT = 16
K = 128
DEPTH = 2
NCHUNK = 158
EPT = NCHUNK * K
E_PAD = NT * EPT
NPAD = 10240
RPT = NPAD // NT

BN_TC = 1000
GRID = N // BN_TC



def _make_sc_agg(with_deg: bool):
    mesh = plsc.VectorSubcoreMesh(core_axis_name="c", subcore_axis_name="s")
    agg_type = jax.ShapeDtypeStruct((NC, NPAD, HH), jnp.float32)
    out_type = ([agg_type, jax.ShapeDtypeStruct((NC, NT, NPAD), jnp.float32)]
                if with_deg else agg_type)
    scratch = (
        [pltpu.VMEM((2, K), jnp.int32) for _ in range(DEPTH)]
        + [pltpu.VMEM((K, HH), jnp.float32) for _ in range(DEPTH)]
        + [pltpu.VMEM_SHARED((NPAD, HH), jnp.float32)]
        + [pltpu.SemaphoreType.DMA] * (2 * DEPTH)
    )
    if with_deg:
        scratch.append(pltpu.VMEM((NPAD,), jnp.float32))

    def body(*refs):
        if with_deg:
            (h2, idx5, zrows, zdeg, agg, degh) = refs[:6]
            rest = refs[6:]
        else:
            (h2, idx5, zrows, agg) = refs[:4]
            rest = refs[4:]
        idx = rest[:DEPTH]
        rows = rest[DEPTH:2 * DEPTH]
        acc = rest[2 * DEPTH]
        gsem = rest[2 * DEPTH + 1:3 * DEPTH + 1]
        isem = rest[3 * DEPTH + 1:4 * DEPTH + 1]
        hist = rest[4 * DEPTH + 1] if with_deg else None
        c = lax.axis_index("c")
        s = lax.axis_index("s")
        base = s * RPT

        pltpu.sync_copy(zrows, rows[0])
        for j in range(RPT // K):
            pltpu.sync_copy(rows[0], acc.at[pl.ds(base + j * K, K)])
        if with_deg:
            pltpu.sync_copy(zdeg, hist)
            ones_l = jnp.full((16,), 1.0, jnp.float32)
        plsc.subcore_barrier()

        def deg_upd(idx_cur):
            if with_deg:
                for j in range(K // 16):
                    dv = idx_cur[1, pl.ds(j * 16, 16)]
                    plsc.addupdate_scatter(hist, [dv], ones_l)

        D1 = DEPTH - 1

        def stage(i, b):
            bn = (b + D1) % DEPTH
            pltpu.make_async_copy(idx5.at[c, s, i + D1], idx[bn], isem[bn]).wait()
            pltpu.async_copy(h2.at[idx[bn].at[0]], rows[bn], gsem[bn])
            deg_upd(idx[b])
            pltpu.make_async_copy(h2.at[idx[b].at[0]], rows[b], gsem[b]).wait()
            pltpu.sync_copy(rows[b], acc.at[idx[b].at[1]], add=True)
            pltpu.async_copy(idx5.at[c, s, i + DEPTH], idx[b], isem[b])

        for b in range(D1):
            pltpu.sync_copy(idx5.at[c, s, b], idx[b])
            pltpu.async_copy(h2.at[idx[b].at[0]], rows[b], gsem[b])
        pltpu.async_copy(idx5.at[c, s, D1], idx[D1], isem[D1])

        def outer(g, carry):
            i0 = g * DEPTH
            for b in range(DEPTH):
                stage(i0 + b, b)
            return carry

        lax.fori_loop(0, NCHUNK // DEPTH, outer, 0)
        for b in range(D1):
            bb = b % DEPTH
            pltpu.make_async_copy(h2.at[idx[bb].at[0]], rows[bb], gsem[bb]).wait()
        pltpu.make_async_copy(idx5.at[c, s, NCHUNK + D1], idx[D1], isem[D1]).wait()
        plsc.subcore_barrier()

        pltpu.sync_copy(acc.at[pl.ds(base, RPT)], agg.at[c, pl.ds(base, RPT)])
        if with_deg:
            pltpu.sync_copy(hist, degh.at[c, s])

    return pl.kernel(body, out_type=out_type, mesh=mesh, scratch_types=scratch,
                     compiler_params=pltpu.CompilerParams(needs_layout_passes=False))


@functools.lru_cache(maxsize=None)
def _get_sc_agg(with_deg: bool):
    return _make_sc_agg(with_deg)



def _dot(a, b):
    return jnp.dot(a, b, preferred_element_type=jnp.float32)


def _split(v):
    return jnp.stack([v[:, :HH], v[:, HH:]], axis=0)


def _proj_body(x_ref, w_ref, b_ref, out_ref):
    h = _dot(x_ref[...], w_ref[...]) + b_ref[...]
    out_ref[...] = _split(h)


def _tc_proj(x, w0, b0):
    return pl.pallas_call(
        _proj_body,
        grid=(GRID,),
        in_specs=[
            pl.BlockSpec((BN_TC, IN_F), lambda i: (i, 0)),
            pl.BlockSpec((IN_F, H), lambda i: (0, 0)),
            pl.BlockSpec((1, H), lambda i: (0, 0)),
        ],
        out_specs=pl.BlockSpec((NC, BN_TC, HH), lambda i: (0, i, 0)),
        out_shape=jax.ShapeDtypeStruct((NC, N, HH), jnp.float32),
    )(x, w0, b0)


def _combine(h_ref, agg_ref, deg_ref, ws, bs, wn, bnb, g, be, rm, rv):
    hb = h_ref[...]
    h = jnp.concatenate([hb[0], hb[1]], axis=1)
    ab = agg_ref[...]
    agg = jnp.concatenate([ab[0], ab[1]], axis=1)
    denom = jnp.maximum(jnp.sum(deg_ref[...], axis=1)[:, None], 1.0)
    agg = agg / denom
    comb = _dot(h, ws[...]) + bs[...] + _dot(agg, wn[...]) + bnb[...]
    comb = (comb - rm[...]) * (g[...] * lax.rsqrt(rv[...] + EPS)) + be[...]
    comb = jnp.maximum(comb, 0.0)
    return h + comb


def _layer_body(h_ref, agg_ref, deg_ref, ws, bs, wn, bnb, g, be, rm, rv, out_ref):
    out_ref[...] = _split(_combine(h_ref, agg_ref, deg_ref, ws, bs, wn, bnb, g, be, rm, rv))


def _final_body(h_ref, agg_ref, deg_ref, ws, bs, wn, bnb, g, be, rm, rv,
                w3t, b3, wd, bd, out_ref):
    hn = _combine(h_ref, agg_ref, deg_ref, ws, bs, wn, bnb, g, be, rm, rv)
    gates = _dot(hn, w3t[...]) + b3[...]
    ig = jax.nn.sigmoid(gates[:, :H])
    gg = jnp.tanh(gates[:, H:2 * H])
    og = jax.nn.sigmoid(gates[:, 2 * H:])
    o = og * jnp.tanh(ig * gg)
    out_ref[...] = _dot(o, wd[...]) + bd[...]


def _layer_specs():
    return [
        pl.BlockSpec((NC, BN_TC, HH), lambda i: (0, i, 0)),
        pl.BlockSpec((NC, BN_TC, HH), lambda i: (0, i, 0)),
        pl.BlockSpec((BN_TC, NT), lambda i: (i, 0)),
        pl.BlockSpec((H, H), lambda i: (0, 0)),
        pl.BlockSpec((1, H), lambda i: (0, 0)),
        pl.BlockSpec((H, H), lambda i: (0, 0)),
        pl.BlockSpec((1, H), lambda i: (0, 0)),
        pl.BlockSpec((1, H), lambda i: (0, 0)),
        pl.BlockSpec((1, H), lambda i: (0, 0)),
        pl.BlockSpec((1, H), lambda i: (0, 0)),
        pl.BlockSpec((1, H), lambda i: (0, 0)),
    ]


def _tc_layer(h, agg, degm, *weights):
    return pl.pallas_call(
        _layer_body,
        grid=(GRID,),
        in_specs=_layer_specs(),
        out_specs=pl.BlockSpec((NC, BN_TC, HH), lambda i: (0, i, 0)),
        out_shape=jax.ShapeDtypeStruct((NC, N, HH), jnp.float32),
    )(h, agg, degm, *weights)


def _tc_final(h, agg, degm, *weights):
    return pl.pallas_call(
        _final_body,
        grid=(GRID,),
        in_specs=_layer_specs() + [
            pl.BlockSpec((H, 3 * H), lambda i: (0, 0)),
            pl.BlockSpec((1, 3 * H), lambda i: (0, 0)),
            pl.BlockSpec((H, OUT_F), lambda i: (0, 0)),
            pl.BlockSpec((1, OUT_F), lambda i: (0, 0)),
        ],
        out_specs=pl.BlockSpec((BN_TC, OUT_F), lambda i: (i, 0)),
        out_shape=jax.ShapeDtypeStruct((N, OUT_F), jnp.float32),
    )(h, agg, degm, *weights)



def kernel(x, edge_index, W0, b0, Ws0, bs0, Wn0, bn0, g0, be0, rm0, rv0,
           Ws1, bs1, Wn1, bn1, g1, be1, rm1, rv1,
           W_ih, b_ih, W_hh, b_hh, Wd, bd):
    f32 = jnp.float32
    src = edge_index[0]
    dst = edge_index[1]
    src_p = jnp.pad(src, (0, E_PAD - E))
    dst_p = jnp.pad(dst, (0, E_PAD - E), constant_values=N)
    g4 = jnp.stack([src_p, src_p + N]).reshape(NC, NT, NCHUNK, K)
    d4 = jnp.broadcast_to(dst_p.reshape(1, NT, NCHUNK, K), (NC, NT, NCHUNK, K))
    dummy = jnp.stack([jnp.zeros((NC, NT, DEPTH, K), jnp.int32),
                       jnp.full((NC, NT, DEPTH, K), N, jnp.int32)], axis=3)
    idx5 = jnp.concatenate([jnp.stack([g4, d4], axis=3), dummy], axis=2)
    zrows = jnp.zeros((K, HH), f32)
    zdeg = jnp.zeros((NPAD,), f32)
    r = lambda v: v.reshape(1, -1)

    h0 = _tc_proj(x, W0, r(b0))
    agg0, degh = _get_sc_agg(True)(h0.reshape(NC * N, HH), idx5, zrows, zdeg)
    degm = degh[0].T
    h1 = _tc_layer(h0, agg0, degm, Ws0, r(bs0), Wn0, r(bn0), r(g0), r(be0), r(rm0), r(rv0))
    agg1 = _get_sc_agg(False)(h1.reshape(NC * N, HH), idx5, zrows)
    w3t = jnp.concatenate([W_ih[:H], W_ih[2 * H:]], axis=0).T
    b3 = jnp.concatenate([(b_ih + b_hh)[:H], (b_ih + b_hh)[2 * H:]])
    return _tc_final(h1, agg1, degm, Ws1, r(bs1), Wn1, r(bn1), r(g1), r(be1),
                     r(rm1), r(rv1), w3t, r(b3), Wd, r(bd))

# --- scband reference (transcript-rebuilt; emitter-appended) ---
"""Pipeline reference for scband-meteo-graph-sage-2954937500043 (READ-ONLY COPY).

The authoritative reference and input builder live on the scoring server;
editing this copy changes nothing except your own understanding.
"""

import jax, jax.numpy as jnp
import numpy as np

N = 10000
E = 320000
IN_F = 128
H = 256
OUT_F = 16
EPS = 1e-5

def setup_inputs(seed: int = 0):
    key = jax.random.key(seed)
    ks = jax.random.split(key, 16)
    s = 0.05
    def w(k, shape):
        return jax.random.normal(k, shape, dtype=jnp.float32) * s
    inp = {}
    inp['x'] = jax.random.normal(ks[0], (N, IN_F), dtype=jnp.float32)
    inp['edge_index'] = jax.random.randint(ks[1], (2, E), 0, N, dtype=jnp.int32)
    inp['W0'] = w(ks[2], (IN_F, H)); inp['b0'] = jnp.zeros((H,), jnp.float32)
    for l in range(2):
        inp['Ws%d' % l] = w(ks[3 + 4 * l], (H, H)); inp['bs%d' % l] = jnp.zeros((H,), jnp.float32)
        inp['Wn%d' % l] = w(ks[4 + 4 * l], (H, H)); inp['bn%d' % l] = jnp.zeros((H,), jnp.float32)
        inp['g%d' % l] = jnp.ones((H,), jnp.float32); inp['be%d' % l] = jnp.zeros((H,), jnp.float32)
        inp['rm%d' % l] = jnp.zeros((H,), jnp.float32); inp['rv%d' % l] = jnp.ones((H,), jnp.float32)
    inp['W_ih'] = w(ks[12], (4 * H, H)); inp['b_ih'] = jnp.zeros((4 * H,), jnp.float32)
    inp['W_hh'] = w(ks[13], (4 * H, H)); inp['b_hh'] = jnp.zeros((4 * H,), jnp.float32)
    inp['Wd'] = w(ks[14], (H, OUT_F)); inp['bd'] = jnp.zeros((OUT_F,), jnp.float32)
    return inp

def reference(x, edge_index, W0, b0, Ws0, bs0, Wn0, bn0, g0, be0, rm0, rv0, Ws1, bs1, Wn1, bn1, g1, be1, rm1, rv1, W_ih, b_ih, W_hh, b_hh, Wd, bd):
    src = edge_index[0]
    dst = edge_index[1]
    # initial projection (conv_layers[0])
    h = x @ W0 + b0
    # degree per destination node (mean aggregation; isolated nodes -> zero agg)
    deg = jnp.zeros((N,), jnp.float32).at[dst].add(1.0)
    denom = jnp.maximum(deg, 1.0)[:, None]
    layers = ((Ws0, bs0, Wn0, bn0, g0, be0, rm0, rv0),
              (Ws1, bs1, Wn1, bn1, g1, be1, rm1, rv1))
    for (Ws, bs, Wn, bn, g, be, rm, rv) in layers:
        # scatter-add gather of neighbor (src) features into dst, then mean
        agg = jnp.zeros_like(h).at[dst].add(h[src]) / denom
        comb = h @ Ws + bs + agg @ Wn + bn
        # BatchNorm1d in eval mode (running stats)
        comb = (comb - rm) / jnp.sqrt(rv + EPS) * g + be
        comb = jax.nn.relu(comb)
        # dropout is identity in eval; residual connection
        h = h + comb
    # single-step LSTM (seq_len=1, h0=c0=0)
    h_prev = jnp.zeros_like(h)
    gates = h @ W_ih.T + b_ih + h_prev @ W_hh.T + b_hh
    i_g, f_g, g_g, o_g = jnp.split(gates, 4, axis=1)
    i_g = jax.nn.sigmoid(i_g)
    f_g = jax.nn.sigmoid(f_g)
    g_g = jnp.tanh(g_g)
    o_g = jax.nn.sigmoid(o_g)
    c = i_g * g_g  # f_g * c0 = 0
    out = o_g * jnp.tanh(c)
    preds = out @ Wd + bd
    return preds

if __name__ == "__main__":
    import jax
    _d = setup_inputs()
    print(jax.jit(kernel)(*tuple(_d.values())))

</pallas_src>

<mosaic_0001>
#map = affine_map<(d0, d1) -> (0, 0)>
#map1 = affine_map<(d0, d1) -> (0, 0, 0, 0, 0)>
#map2 = affine_map<(d0, d1) -> (0, 0, 0)>
module attributes {stable_mosaic.version = 14 : i64} {
  func.func @body(%arg0: i32, %arg1: i32, %arg2: memref<20000x128xf32, #tpu.memory_space<hbm>>, %arg3: memref<2x16x160x2x128xi32, #tpu.memory_space<hbm>>, %arg4: memref<128x128xf32, #tpu.memory_space<hbm>>, %arg5: memref<2x10240x128xf32, #tpu.memory_space<hbm>>, %arg6: memref<2x128xi32, #tpu.memory_space<vmem>>, %arg7: memref<2x128xi32, #tpu.memory_space<vmem>>, %arg8: memref<128x128xf32, #tpu.memory_space<vmem>>, %arg9: memref<128x128xf32, #tpu.memory_space<vmem>>, %arg10: memref<10240x128xf32, #tpu.memory_space<vmem_shared>>, %arg11: memref<!tpu.dma_semaphore, #tpu.memory_space<semaphore_mem>>, %arg12: memref<!tpu.dma_semaphore, #tpu.memory_space<semaphore_mem>>, %arg13: memref<!tpu.dma_semaphore, #tpu.memory_space<semaphore_mem>>, %arg14: memref<!tpu.dma_semaphore, #tpu.memory_space<semaphore_mem>>) attributes {dimension_semantics = [#tpu.dimension_semantics<core_parallel>, #tpu.dimension_semantics<subcore_parallel>], iteration_bounds = array<i64: 2, 16>, scalar_prefetch = 0 : i64, scratch_operands = 9 : i64, tpu.core_type = #tpu.core_type<sc_vector_subcore>, window_params = [{transform_indices = #map}, {transform_indices = #map1}, {transform_indices = #map}, {transform_indices = #map2}]} {
    %mul3A = arith.constant 640 : i32
    %mul3A_0 = arith.muli %arg1, %mul3A : i32
    "tpu.region"() ({
      %run_scoped3A_46 = tpu.sem_alloc : memref<!tpu.dma_semaphore, #tpu.memory_space<semaphore_mem>>
      tpu.enqueue_dma source(%arg4 : memref<128x128xf32, #tpu.memory_space<hbm>>) target(%arg8 : memref<128x128xf32, #tpu.memory_space<vmem>>) target_semaphore(%run_scoped3A_46 : memref<!tpu.dma_semaphore, #tpu.memory_space<semaphore_mem>>)
      tpu.wait_dma2 semaphore(%run_scoped3A_46 : memref<!tpu.dma_semaphore, #tpu.memory_space<semaphore_mem>>) src(%arg4 : memref<128x128xf32, #tpu.memory_space<hbm>>) dst(%arg8 : memref<128x128xf32, #tpu.memory_space<vmem>>)
      tpu.yield
    }) : () -> ()
    %add3A = arith.constant 0 : i32
    %add3A_1 = arith.addi %mul3A_0, %add3A : i32
    "tpu.region"() ({
      %run_scoped3A_46 = tpu.sem_alloc : memref<!tpu.dma_semaphore, #tpu.memory_space<semaphore_mem>>
      %dma_start3A_47 = arith.constant 0 : i32
      %dma_start3A_48 = tpu.memref_slice %arg10[%add3A_1, %dma_start3A_47] : memref<10240x128xf32, #tpu.memory_space<vmem_shared>> -> memref<128x128xf32, #tpu.memory_space<vmem_shared>>
      %dma_start3A_49 = arith.constant 0 : i32
      %dma_start3A_50 = tpu.memref_slice %arg10[%add3A_1, %dma_start3A_49] : memref<10240x128xf32, #tpu.memory_space<vmem_shared>> -> memref<128x128xf32, #tpu.memory_space<vmem_shared>>
      tpu.enqueue_dma source(%arg8 : memref<128x128xf32, #tpu.memory_space<vmem>>) target(%dma_start3A_50 : memref<128x128xf32, #tpu.memory_space<vmem_shared>>) target_semaphore(%run_scoped3A_46 : memref<!tpu.dma_semaphore, #tpu.memory_space<semaphore_mem>>)
      %dma_wait3A_51 = arith.constant 0 : i32
      %dma_wait3A_52 = tpu.memref_slice %arg10[%add3A_1, %dma_wait3A_51] : memref<10240x128xf32, #tpu.memory_space<vmem_shared>> -> memref<128x128xf32, #tpu.memory_space<vmem_shared>>
      %dma_wait3A_53 = arith.constant 0 : i32
      %dma_wait3A_54 = tpu.memref_slice %arg10[%add3A_1, %dma_wait3A_53] : memref<10240x128xf32, #tpu.memory_space<vmem_shared>> -> memref<128x128xf32, #tpu.memory_space<vmem_shared>>
      tpu.wait_dma2 semaphore(%run_scoped3A_46 : memref<!tpu.dma_semaphore, #tpu.memory_space<semaphore_mem>>) src(%arg8 : memref<128x128xf32, #tpu.memory_space<vmem>>) dst(%dma_wait3A_54 : memref<128x128xf32, #tpu.memory_space<vmem_shared>>)
      tpu.yield
    }) : () -> ()
    %add3A_2 = arith.constant 128 : i32
    %add3A_3 = arith.addi %mul3A_0, %add3A_2 : i32
    "tpu.region"() ({
      %run_scoped3A_46 = tpu.sem_alloc : memref<!tpu.dma_semaphore, #tpu.memory_space<semaphore_mem>>
      %dma_start3A_47 = arith.constant 0 : i32
      %dma_start3A_48 = tpu.memref_slice %arg10[%add3A_3, %dma_start3A_47] : memref<10240x128xf32, #tpu.memory_space<vmem_shared>> -> memref<128x128xf32, #tpu.memory_space<vmem_shared>>
      %dma_start3A_49 = arith.constant 0 : i32
      %dma_start3A_50 = tpu.memref_slice %arg10[%add3A_3, %dma_start3A_49] : memref<10240x128xf32, #tpu.memory_space<vmem_shared>> -> memref<128x128xf32, #tpu.memory_space<vmem_shared>>
      tpu.enqueue_dma source(%arg8 : memref<128x128xf32, #tpu.memory_space<vmem>>) target(%dma_start3A_50 : memref<128x128xf32, #tpu.memory_space<vmem_shared>>) target_semaphore(%run_scoped3A_46 : memref<!tpu.dma_semaphore, #tpu.memory_space<semaphore_mem>>)
      %dma_wait3A_51 = arith.constant 0 : i32
      %dma_wait3A_52 = tpu.memref_slice %arg10[%add3A_3, %dma_wait3A_51] : memref<10240x128xf32, #tpu.memory_space<vmem_shared>> -> memref<128x128xf32, #tpu.memory_space<vmem_shared>>
      %dma_wait3A_53 = arith.constant 0 : i32
      %dma_wait3A_54 = tpu.memref_slice %arg10[%add3A_3, %dma_wait3A_53] : memref<10240x128xf32, #tpu.memory_space<vmem_shared>> -> memref<128x128xf32, #tpu.memory_space<vmem_shared>>
      tpu.wait_dma2 semaphore(%run_scoped3A_46 : memref<!tpu.dma_semaphore, #tpu.memory_space<semaphore_mem>>) src(%arg8 : memref<128x128xf32, #tpu.memory_space<vmem>>) dst(%dma_wait3A_54 : memref<128x128xf32, #tpu.memory_space<vmem_shared>>)
      tpu.yield
    }) : () -> ()
    %add3A_4 = arith.constant 256 : i32
    %add3A_5 = arith.addi %mul3A_0, %add3A_4 : i32
    "tpu.region"() ({
      %run_scoped3A_46 = tpu.sem_alloc : memref<!tpu.dma_semaphore, #tpu.memory_space<semaphore_mem>>
      %dma_start3A_47 = arith.constant 0 : i32
      %dma_start3A_48 = tpu.memref_slice %arg10[%add3A_5, %dma_start3A_47] : memref<10240x128xf32, #tpu.memory_space<vmem_shared>> -> memref<128x128xf32, #tpu.memory_space<vmem_shared>>
      %dma_start3A_49 = arith.constant 0 : i32
      %dma_start3A_50 = tpu.memref_slice %arg10[%add3A_5, %dma_start3A_49] : memref<10240x128xf32, #tpu.memory_space<vmem_shared>> -> memref<128x128xf32, #tpu.memory_space<vmem_shared>>
      tpu.enqueue_dma source(%arg8 : memref<128x128xf32, #tpu.memory_space<vmem>>) target(%dma_start3A_50 : memref<128x128xf32, #tpu.memory_space<vmem_shared>>) target_semaphore(%run_scoped3A_46 : memref<!tpu.dma_semaphore, #tpu.memory_space<semaphore_mem>>)
      %dma_wait3A_51 = arith.constant 0 : i32
      %dma_wait3A_52 = tpu.memref_slice %arg10[%add3A_5, %dma_wait3A_51] : memref<10240x128xf32, #tpu.memory_space<vmem_shared>> -> memref<128x128xf32, #tpu.memory_space<vmem_shared>>
      %dma_wait3A_53 = arith.constant 0 : i32
      %dma_wait3A_54 = tpu.memref_slice %arg10[%add3A_5, %dma_wait3A_53] : memref<10240x128xf32, #tpu.memory_space<vmem_shared>> -> memref<128x128xf32, #tpu.memory_space<vmem_shared>>
      tpu.wait_dma2 semaphore(%run_scoped3A_46 : memref<!tpu.dma_semaphore, #tpu.memory_space<semaphore_mem>>) src(%arg8 : memref<128x128xf32, #tpu.memory_space<vmem>>) dst(%dma_wait3A_54 : memref<128x128xf32, #tpu.memory_space<vmem_shared>>)
      tpu.yield
    }) : () -> ()
    %add3A_6 = arith.constant 384 : i32
    %add3A_7 = arith.addi %mul3A_0, %add3A_6 : i32
    "tpu.region"() ({
      %run_scoped3A_46 = tpu.sem_alloc : memref<!tpu.dma_semaphore, #tpu.memory_space<semaphore_mem>>
      %dma_start3A_47 = arith.constant 0 : i32
      %dma_start3A_48 = tpu.memref_slice %arg10[%add3A_7, %dma_start3A_47] : memref<10240x128xf32, #tpu.memory_space<vmem_shared>> -> memref<128x128xf32, #tpu.memory_space<vmem_shared>>
      %dma_start3A_49 = arith.constant 0 : i32
      %dma_start3A_50 = tpu.memref_slice %arg10[%add3A_7, %dma_start3A_49] : memref<10240x128xf32, #tpu.memory_space<vmem_shared>> -> memref<128x128xf32, #tpu.memory_space<vmem_shared>>
      tpu.enqueue_dma source(%arg8 : memref<128x128xf32, #tpu.memory_space<vmem>>) target(%dma_start3A_50 : memref<128x128xf32, #tpu.memory_space<vmem_shared>>) target_semaphore(%run_scoped3A_46 : memref<!tpu.dma_semaphore, #tpu.memory_space<semaphore_mem>>)
      %dma_wait3A_51 = arith.constant 0 : i32
      %dma_wait3A_52 = tpu.memref_slice %arg10[%add3A_7, %dma_wait3A_51] : memref<10240x128xf32, #tpu.memory_space<vmem_shared>> -> memref<128x128xf32, #tpu.memory_space<vmem_shared>>
      %dma_wait3A_53 = arith.constant 0 : i32
      %dma_wait3A_54 = tpu.memref_slice %arg10[%add3A_7, %dma_wait3A_53] : memref<10240x128xf32, #tpu.memory_space<vmem_shared>> -> memref<128x128xf32, #tpu.memory_space<vmem_shared>>
      tpu.wait_dma2 semaphore(%run_scoped3A_46 : memref<!tpu.dma_semaphore, #tpu.memory_space<semaphore_mem>>) src(%arg8 : memref<128x128xf32, #tpu.memory_space<vmem>>) dst(%dma_wait3A_54 : memref<128x128xf32, #tpu.memory_space<vmem_shared>>)
      tpu.yield
    }) : () -> ()
    %add3A_8 = arith.constant 512 : i32
    %add3A_9 = arith.addi %mul3A_0, %add3A_8 : i32
    "tpu.region"() ({
      %run_scoped3A_46 = tpu.sem_alloc : memref<!tpu.dma_semaphore, #tpu.memory_space<semaphore_mem>>
      %dma_start3A_47 = arith.constant 0 : i32
      %dma_start3A_48 = tpu.memref_slice %arg10[%add3A_9, %dma_start3A_47] : memref<10240x128xf32, #tpu.memory_space<vmem_shared>> -> memref<128x128xf32, #tpu.memory_space<vmem_shared>>
      %dma_start3A_49 = arith.constant 0 : i32
      %dma_start3A_50 = tpu.memref_slice %arg10[%add3A_9, %dma_start3A_49] : memref<10240x128xf32, #tpu.memory_space<vmem_shared>> -> memref<128x128xf32, #tpu.memory_space<vmem_shared>>
      tpu.enqueue_dma source(%arg8 : memref<128x128xf32, #tpu.memory_space<vmem>>) target(%dma_start3A_50 : memref<128x128xf32, #tpu.memory_space<vmem_shared>>) target_semaphore(%run_scoped3A_46 : memref<!tpu.dma_semaphore, #tpu.memory_space<semaphore_mem>>)
      %dma_wait3A_51 = arith.constant 0 : i32
      %dma_wait3A_52 = tpu.memref_slice %arg10[%add3A_9, %dma_wait3A_51] : memref<10240x128xf32, #tpu.memory_space<vmem_shared>> -> memref<128x128xf32, #tpu.memory_space<vmem_shared>>
      %dma_wait3A_53 = arith.constant 0 : i32
      %dma_wait3A_54 = tpu.memref_slice %arg10[%add3A_9, %dma_wait3A_53] : memref<10240x128xf32, #tpu.memory_space<vmem_shared>> -> memref<128x128xf32, #tpu.memory_space<vmem_shared>>
      tpu.wait_dma2 semaphore(%run_scoped3A_46 : memref<!tpu.dma_semaphore, #tpu.memory_space<semaphore_mem>>) src(%arg8 : memref<128x128xf32, #tpu.memory_space<vmem>>) dst(%dma_wait3A_54 : memref<128x128xf32, #tpu.memory_space<vmem_shared>>)
      tpu.yield
    }) : () -> ()
    %barrier3A = arith.constant 0 : index
    tpu.barrier barrier_id(%barrier3A)
    %run_scoped3A = arith.constant 0 : i32
    "tpu.region"() ({
      %run_scoped3A_46 = tpu.sem_alloc : memref<!tpu.dma_semaphore, #tpu.memory_space<semaphore_mem>>
      %dma_start3A_47 = arith.constant 0 : i32
      %dma_start3A_48 = arith.constant 0 : i32
      %dma_start3A_49 = tpu.memref_slice %arg3[%arg0, %arg1, %run_scoped3A, %dma_start3A_47, %dma_start3A_48] : memref<2x16x160x2x128xi32, #tpu.memory_space<hbm>> -> memref<1x1x1x2x128xi32, #tpu.memory_space<hbm>>
      %dma_start3A_50 = tpu.memref_squeeze %dma_start3A_49 : memref<1x1x1x2x128xi32, #tpu.memory_space<hbm>> -> memref<2x128xi32, #tpu.memory_space<hbm>>
      %dma_start3A_51 = arith.constant 0 : i32
      %dma_start3A_52 = arith.constant 0 : i32
      %dma_start3A_53 = tpu.memref_slice %arg3[%arg0, %arg1, %run_scoped3A, %dma_start3A_51, %dma_start3A_52] : memref<2x16x160x2x128xi32, #tpu.memory_space<hbm>> -> memref<1x1x1x2x128xi32, #tpu.memory_space<hbm>>
      %dma_start3A_54 = tpu.memref_squeeze %dma_start3A_53 : memref<1x1x1x2x128xi32, #tpu.memory_space<hbm>> -> memref<2x128xi32, #tpu.memory_space<hbm>>
      tpu.enqueue_dma source(%dma_start3A_54 : memref<2x128xi32, #tpu.memory_space<hbm>>) target(%arg6 : memref<2x128xi32, #tpu.memory_space<vmem>>) target_semaphore(%run_scoped3A_46 : memref<!tpu.dma_semaphore, #tpu.memory_space<semaphore_mem>>)
      %dma_wait3A_55 = arith.constant 0 : i32
      %dma_wait3A_56 = arith.constant 0 : i32
      %dma_wait3A_57 = tpu.memref_slice %arg3[%arg0, %arg1, %run_scoped3A, %dma_wait3A_55, %dma_wait3A_56] : memref<2x16x160x2x128xi32, #tpu.memory_space<hbm>> -> memref<1x1x1x2x128xi32, #tpu.memory_space<hbm>>
      %dma_wait3A_58 = tpu.memref_squeeze %dma_wait3A_57 : memref<1x1x1x2x128xi32, #tpu.memory_space<hbm>> -> memref<2x128xi32, #tpu.memory_space<hbm>>
      %dma_wait3A_59 = arith.constant 0 : i32
      %dma_wait3A_60 = arith.constant 0 : i32
      %dma_wait3A_61 = tpu.memref_slice %arg3[%arg0, %arg1, %run_scoped3A, %dma_wait3A_59, %dma_wait3A_60] : memref<2x16x160x2x128xi32, #tpu.memory_space<hbm>> -> memref<1x1x1x2x128xi32, #tpu.memory_space<hbm>>
      %dma_wait3A_62 = tpu.memref_squeeze %dma_wait3A_61 : memref<1x1x1x2x128xi32, #tpu.memory_space<hbm>> -> memref<2x128xi32, #tpu.memory_space<hbm>>
      tpu.wait_dma2 semaphore(%run_scoped3A_46 : memref<!tpu.dma_semaphore, #tpu.memory_space<semaphore_mem>>) src(%dma_wait3A_62 : memref<2x128xi32, #tpu.memory_space<hbm>>) dst(%arg6 : memref<2x128xi32, #tpu.memory_space<vmem>>)
      tpu.yield
    }) : () -> ()
    %dma_start3A = arith.constant 0 : i32
    %dma_start3A_10 = arith.constant 0 : i32
    %dma_start3A_11 = tpu.memref_slice %arg6[%dma_start3A, %dma_start3A_10] : memref<2x128xi32, #tpu.memory_space<vmem>> -> memref<1x128xi32, #tpu.memory_space<vmem>>
    %dma_start3A_12 = tpu.memref_squeeze %dma_start3A_11 : memref<1x128xi32, #tpu.memory_space<vmem>> -> memref<128xi32, #tpu.memory_space<vmem>>
    %dma_start3A_13 = arith.constant 0 : i32
    %dma_start3A_14 = arith.constant 0 : i32
    %dma_start3A_15 = tpu.memref_slice %arg2[%dma_start3A_13, %dma_start3A_14] : memref<20000x128xf32, #tpu.memory_space<hbm>> -> memref<20000x128xf32, #tpu.memory_space<hbm>>
    tpu.enqueue_indirect_dma source(%dma_start3A_15 : memref<20000x128xf32, #tpu.memory_space<hbm>>) target(%arg8 : memref<128x128xf32, #tpu.memory_space<vmem>>) offsets(%dma_start3A_12 : memref<128xi32, #tpu.memory_space<vmem>>) semaphore(%arg11 : memref<!tpu.dma_semaphore, #tpu.memory_space<semaphore_mem>>)
    %dma_start3A_16 = arith.constant 1 : i32
    %dma_start3A_17 = arith.constant 0 : i32
    %dma_start3A_18 = arith.constant 0 : i32
    %dma_start3A_19 = tpu.memref_slice %arg3[%arg0, %arg1, %dma_start3A_16, %dma_start3A_17, %dma_start3A_18] : memref<2x16x160x2x128xi32, #tpu.memory_space<hbm>> -> memref<1x1x1x2x128xi32, #tpu.memory_space<hbm>>
    %dma_start3A_20 = tpu.memref_squeeze %dma_start3A_19 : memref<1x1x1x2x128xi32, #tpu.memory_space<hbm>> -> memref<2x128xi32, #tpu.memory_space<hbm>>
    %dma_start3A_21 = arith.constant 0 : i32
    %dma_start3A_22 = arith.constant 0 : i32
    %dma_start3A_23 = tpu.memref_slice %arg3[%arg0, %arg1, %dma_start3A_16, %dma_start3A_21, %dma_start3A_22] : memref<2x16x160x2x128xi32, #tpu.memory_space<hbm>> -> memref<1x1x1x2x128xi32, #tpu.memory_space<hbm>>
    %dma_start3A_24 = tpu.memref_squeeze %dma_start3A_23 : memref<1x1x1x2x128xi32, #tpu.memory_space<hbm>> -> memref<2x128xi32, #tpu.memory_space<hbm>>
    tpu.enqueue_dma source(%dma_start3A_24 : memref<2x128xi32, #tpu.memory_space<hbm>>) target(%arg7 : memref<2x128xi32, #tpu.memory_space<vmem>>) target_semaphore(%arg14 : memref<!tpu.dma_semaphore, #tpu.memory_space<semaphore_mem>>)
    %scan3A = arith.constant 0 : i32
    %scan3A_25 = arith.constant 0 : i32
    %scan3A_26 = arith.constant 79 : i32
    %scan3A_27 = arith.addi %scan3A_25, %scan3A_26 : i32
    %scan3A_28 = arith.constant 1 : i32
    scf.for %scan3A_46 = %scan3A_25 to %scan3A_27 step %scan3A_28  : i32 {
      %mul3A_47 = arith.constant 2 : i32
      %mul3A_48 = arith.muli %scan3A_46, %mul3A_47 : i32
      %add3A_49 = arith.constant 0 : i32
      %add3A_50 = arith.addi %mul3A_48, %add3A_49 : i32
      %add3A_51 = arith.constant 1 : i32
      %add3A_52 = arith.addi %add3A_50, %add3A_51 : i32
      %dma_wait3A_53 = arith.constant 0 : i32
      %dma_wait3A_54 = arith.constant 0 : i32
      %dma_wait3A_55 = tpu.memref_slice %arg3[%arg0, %arg1, %add3A_52, %dma_wait3A_53, %dma_wait3A_54] : memref<2x16x160x2x128xi32, #tpu.memory_space<hbm>> -> memref<1x1x1x2x128xi32, #tpu.memory_space<hbm>>
      %dma_wait3A_56 = tpu.memref_squeeze %dma_wait3A_55 : memref<1x1x1x2x128xi32, #tpu.memory_space<hbm>> -> memref<2x128xi32, #tpu.memory_space<hbm>>
      %dma_wait3A_57 = arith.constant 0 : i32
      %dma_wait3A_58 = arith.constant 0 : i32
      %dma_wait3A_59 = tpu.memref_slice %arg3[%arg0, %arg1, %add3A_52, %dma_wait3A_57, %dma_wait3A_58] : memref<2x16x160x2x128xi32, #tpu.memory_space<hbm>> -> memref<1x1x1x2x128xi32, #tpu.memory_space<hbm>>
      %dma_wait3A_60 = tpu.memref_squeeze %dma_wait3A_59 : memref<1x1x1x2x128xi32, #tpu.memory_space<hbm>> -> memref<2x128xi32, #tpu.memory_space<hbm>>
      tpu.wait_dma2 semaphore(%arg14 : memref<!tpu.dma_semaphore, #tpu.memory_space<semaphore_mem>>) src(%dma_wait3A_60 : memref<2x128xi32, #tpu.memory_space<hbm>>) dst(%arg7 : memref<2x128xi32, #tpu.memory_space<vmem>>)
      %dma_start3A_61 = arith.constant 0 : i32
      %dma_start3A_62 = arith.constant 0 : i32
      %dma_start3A_63 = tpu.memref_slice %arg7[%dma_start3A_61, %dma_start3A_62] : memref<2x128xi32, #tpu.memory_space<vmem>> -> memref<1x128xi32, #tpu.memory_space<vmem>>
      %dma_start3A_64 = tpu.memref_squeeze %dma_start3A_63 : memref<1x128xi32, #tpu.memory_space<vmem>> -> memref<128xi32, #tpu.memory_space<vmem>>
      %dma_start3A_65 = arith.constant 0 : i32
      %dma_start3A_66 = arith.constant 0 : i32
      %dma_start3A_67 = tpu.memref_slice %arg2[%dma_start3A_65, %dma_start3A_66] : memref<20000x128xf32, #tpu.memory_space<hbm>> -> memref<20000x128xf32, #tpu.memory_space<hbm>>
      tpu.enqueue_indirect_dma source(%dma_start3A_67 : memref<20000x128xf32, #tpu.memory_space<hbm>>) target(%arg9 : memref<128x128xf32, #tpu.memory_space<vmem>>) offsets(%dma_start3A_64 : memref<128xi32, #tpu.memory_space<vmem>>) semaphore(%arg12 : memref<!tpu.dma_semaphore, #tpu.memory_space<semaphore_mem>>)
      %dma_wait3A_68 = arith.constant 0 : i32
      %dma_wait3A_69 = arith.constant 0 : i32
      %dma_wait3A_70 = tpu.memref_slice %arg6[%dma_wait3A_68, %dma_wait3A_69] : memref<2x128xi32, #tpu.memory_space<vmem>> -> memref<1x128xi32, #tpu.memory_space<vmem>>
      %dma_wait3A_71 = tpu.memref_squeeze %dma_wait3A_70 : memref<1x128xi32, #tpu.memory_space<vmem>> -> memref<128xi32, #tpu.memory_space<vmem>>
      %dma_wait3A_72 = arith.constant 0 : i32
      %dma_wait3A_73 = arith.constant 0 : i32
      %dma_wait3A_74 = tpu.memref_slice %arg2[%dma_wait3A_72, %dma_wait3A_73] : memref<20000x128xf32, #tpu.memory_space<hbm>> -> memref<20000x128xf32, #tpu.memory_space<hbm>>
      tpu.wait_indirect_dma semaphore(%arg11 : memref<!tpu.dma_semaphore, #tpu.memory_space<semaphore_mem>>) src(%dma_wait3A_74 : memref<20000x128xf32, #tpu.memory_space<hbm>>) dst(%arg8 : memref<128x128xf32, #tpu.memory_space<vmem>>)
      %run_scoped3A_75 = arith.constant 1 : i32
      "tpu.region"() ({
        %run_scoped3A_123 = tpu.sem_alloc : memref<!tpu.dma_semaphore, #tpu.memory_space<semaphore_mem>>
        %dma_start3A_124 = arith.constant 0 : i32
        %dma_start3A_125 = tpu.memref_slice %arg6[%run_scoped3A_75, %dma_start3A_124] : memref<2x128xi32, #tpu.memory_space<vmem>> -> memref<1x128xi32, #tpu.memory_space<vmem>>
        %dma_start3A_126 = tpu.memref_squeeze %dma_start3A_125 : memref<1x128xi32, #tpu.memory_space<vmem>> -> memref<128xi32, #tpu.memory_space<vmem>>
        %dma_start3A_127 = arith.constant 0 : i32
        %dma_start3A_128 = arith.constant 0 : i32
        %dma_start3A_129 = tpu.memref_slice %arg10[%dma_start3A_127, %dma_start3A_128] : memref<10240x128xf32, #tpu.memory_space<vmem_shared>> -> memref<10240x128xf32, #tpu.memory_space<vmem_shared>>
        tpu.enqueue_indirect_dma source(%arg8 : memref<128x128xf32, #tpu.memory_space<vmem>>) target(%dma_start3A_129 : memref<10240x128xf32, #tpu.memory_space<vmem_shared>>) offsets(%dma_start3A_126 : memref<128xi32, #tpu.memory_space<vmem>>) semaphore(%run_scoped3A_123 : memref<!tpu.dma_semaphore, #tpu.memory_space<semaphore_mem>>) {add = true}
        %dma_wait3A_130 = arith.constant 0 : i32
        %dma_wait3A_131 = tpu.memref_slice %arg6[%run_scoped3A_75, %dma_wait3A_130] : memref<2x128xi32, #tpu.memory_space<vmem>> -> memref<1x128xi32, #tpu.memory_space<vmem>>
        %dma_wait3A_132 = tpu.memref_squeeze %dma_wait3A_131 : memref<1x128xi32, #tpu.memory_space<vmem>> -> memref<128xi32, #tpu.memory_space<vmem>>
        %dma_wait3A_133 = arith.constant 0 : i32
        %dma_wait3A_134 = arith.constant 0 : i32
        %dma_wait3A_135 = tpu.memref_slice %arg10[%dma_wait3A_133, %dma_wait3A_134] : memref<10240x128xf32, #tpu.memory_space<vmem_shared>> -> memref<10240x128xf32, #tpu.memory_space<vmem_shared>>
        tpu.wait_indirect_dma semaphore(%run_scoped3A_123 : memref<!tpu.dma_semaphore, #tpu.memory_space<semaphore_mem>>) src(%arg8 : memref<128x128xf32, #tpu.memory_space<vmem>>) dst(%dma_wait3A_135 : memref<10240x128xf32, #tpu.memory_space<vmem_shared>>)
        tpu.yield
      }) : () -> ()
      %add3A_76 = arith.constant 2 : i32
      %add3A_77 = arith.addi %add3A_50, %add3A_76 : i32
      %dma_start3A_78 = arith.constant 0 : i32
      %dma_start3A_79 = arith.constant 0 : i32
      %dma_start3A_80 = tpu.memref_slice %arg3[%arg0, %arg1, %add3A_77, %dma_start3A_78, %dma_start3A_79] : memref<2x16x160x2x128xi32, #tpu.memory_space<hbm>> -> memref<1x1x1x2x128xi32, #tpu.memory_space<hbm>>
      %dma_start3A_81 = tpu.memref_squeeze %dma_start3A_80 : memref<1x1x1x2x128xi32, #tpu.memory_space<hbm>> -> memref<2x128xi32, #tpu.memory_space<hbm>>
      %dma_start3A_82 = arith.constant 0 : i32
      %dma_start3A_83 = arith.constant 0 : i32
      %dma_start3A_84 = tpu.memref_slice %arg3[%arg0, %arg1, %add3A_77, %dma_start3A_82, %dma_start3A_83] : memref<2x16x160x2x128xi32, #tpu.memory_space<hbm>> -> memref<1x1x1x2x128xi32, #tpu.memory_space<hbm>>
      %dma_start3A_85 = tpu.memref_squeeze %dma_start3A_84 : memref<1x1x1x2x128xi32, #tpu.memory_space<hbm>> -> memref<2x128xi32, #tpu.memory_space<hbm>>
      tpu.enqueue_dma source(%dma_start3A_85 : memref<2x128xi32, #tpu.memory_space<hbm>>) target(%arg6 : memref<2x128xi32, #tpu.memory_space<vmem>>) target_semaphore(%arg13 : memref<!tpu.dma_semaphore, #tpu.memory_space<semaphore_mem>>)
      %add3A_86 = arith.constant 1 : i32
      %add3A_87 = arith.addi %mul3A_48, %add3A_86 : i32
      %add3A_88 = arith.constant 1 : i32
      %add3A_89 = arith.addi %add3A_87, %add3A_88 : i32
      %dma_wait3A_90 = arith.constant 0 : i32
      %dma_wait3A_91 = arith.constant 0 : i32
      %dma_wait3A_92 = tpu.memref_slice %arg3[%arg0, %arg1, %add3A_89, %dma_wait3A_90, %dma_wait3A_91] : memref<2x16x160x2x128xi32, #tpu.memory_space<hbm>> -> memref<1x1x1x2x128xi32, #tpu.memory_space<hbm>>
      %dma_wait3A_93 = tpu.memref_squeeze %dma_wait3A_92 : memref<1x1x1x2x128xi32, #tpu.memory_space<hbm>> -> memref<2x128xi32, #tpu.memory_space<hbm>>
      %dma_wait3A_94 = arith.constant 0 : i32
      %dma_wait3A_95 = arith.constant 0 : i32
      %dma_wait3A_96 = tpu.memref_slice %arg3[%arg0, %arg1, %add3A_89, %dma_wait3A_94, %dma_wait3A_95] : memref<2x16x160x2x128xi32, #tpu.memory_space<hbm>> -> memref<1x1x1x2x128xi32, #tpu.memory_space<hbm>>
      %dma_wait3A_97 = tpu.memref_squeeze %dma_wait3A_96 : memref<1x1x1x2x128xi32, #tpu.memory_space<hbm>> -> memref<2x128xi32, #tpu.memory_space<hbm>>
      tpu.wait_dma2 semaphore(%arg13 : memref<!tpu.dma_semaphore, #tpu.memory_space<semaphore_mem>>) src(%dma_wait3A_97 : memref<2x128xi32, #tpu.memory_space<hbm>>) dst(%arg6 : memref<2x128xi32, #tpu.memory_space<vmem>>)
      %dma_start3A_98 = arith.constant 0 : i32
      %dma_start3A_99 = arith.constant 0 : i32
      %dma_start3A_100 = tpu.memref_slice %arg6[%dma_start3A_98, %dma_start3A_99] : memref<2x128xi32, #tpu.memory_space<vmem>> -> memref<1x128xi32, #tpu.memory_space<vmem>>
      %dma_start3A_101 = tpu.memref_squeeze %dma_start3A_100 : memref<1x128xi32, #tpu.memory_space<vmem>> -> memref<128xi32, #tpu.memory_space<vmem>>
      %dma_start3A_102 = arith.constant 0 : i32
      %dma_start3A_103 = arith.constant 0 : i32
      %dma_start3A_104 = tpu.memref_slice %arg2[%dma_start3A_102, %dma_start3A_103] : memref<20000x128xf32, #tpu.memory_space<hbm>> -> memref<20000x128xf32, #tpu.memory_space<hbm>>
      tpu.enqueue_indirect_dma source(%dma_start3A_104 : memref<20000x128xf32, #tpu.memory_space<hbm>>) target(%arg8 : memref<128x128xf32, #tpu.memory_space<vmem>>) offsets(%dma_start3A_101 : memref<128xi32, #tpu.memory_space<vmem>>) semaphore(%arg11 : memref<!tpu.dma_semaphore, #tpu.memory_space<semaphore_mem>>)
      %dma_wait3A_105 = arith.constant 0 : i32
      %dma_wait3A_106 = arith.constant 0 : i32
      %dma_wait3A_107 = tpu.memref_slice %arg7[%dma_wait3A_105, %dma_wait3A_106] : memref<2x128xi32, #tpu.memory_space<vmem>> -> memref<1x128xi32, #tpu.memory_space<vmem>>
      %dma_wait3A_108 = tpu.memref_squeeze %dma_wait3A_107 : memref<1x128xi32, #tpu.memory_space<vmem>> -> memref<128xi32, #tpu.memory_space<vmem>>
      %dma_wait3A_109 = arith.constant 0 : i32
      %dma_wait3A_110 = arith.constant 0 : i32
      %dma_wait3A_111 = tpu.memref_slice %arg2[%dma_wait3A_109, %dma_wait3A_110] : memref<20000x128xf32, #tpu.memory_space<hbm>> -> memref<20000x128xf32, #tpu.memory_space<hbm>>
      tpu.wait_indirect_dma semaphore(%arg12 : memref<!tpu.dma_semaphore, #tpu.memory_space<semaphore_mem>>) src(%dma_wait3A_111 : memref<20000x128xf32, #tpu.memory_space<hbm>>) dst(%arg9 : memref<128x128xf32, #tpu.memory_space<vmem>>)
      %run_scoped3A_112 = arith.constant 1 : i32
      "tpu.region"() ({
        %run_scoped3A_123 = tpu.sem_alloc : memref<!tpu.dma_semaphore, #tpu.memory_space<semaphore_mem>>
        %dma_start3A_124 = arith.constant 0 : i32
        %dma_start3A_125 = tpu.memref_slice %arg7[%run_scoped3A_112, %dma_start3A_124] : memref<2x128xi32, #tpu.memory_space<vmem>> -> memref<1x128xi32, #tpu.memory_space<vmem>>
        %dma_start3A_126 = tpu.memref_squeeze %dma_start3A_125 : memref<1x128xi32, #tpu.memory_space<vmem>> -> memref<128xi32, #tpu.memory_space<vmem>>
        %dma_start3A_127 = arith.constant 0 : i32
        %dma_start3A_128 = arith.constant 0 : i32
        %dma_start3A_129 = tpu.memref_slice %arg10[%dma_start3A_127, %dma_start3A_128] : memref<10240x128xf32, #tpu.memory_space<vmem_shared>> -> memref<10240x128xf32, #tpu.memory_space<vmem_shared>>
        tpu.enqueue_indirect_dma source(%arg9 : memref<128x128xf32, #tpu.memory_space<vmem>>) target(%dma_start3A_129 : memref<10240x128xf32, #tpu.memory_space<vmem_shared>>) offsets(%dma_start3A_126 : memref<128xi32, #tpu.memory_space<vmem>>) semaphore(%run_scoped3A_123 : memref<!tpu.dma_semaphore, #tpu.memory_space<semaphore_mem>>) {add = true}
        %dma_wait3A_130 = arith.constant 0 : i32
        %dma_wait3A_131 = tpu.memref_slice %arg7[%run_scoped3A_112, %dma_wait3A_130] : memref<2x128xi32, #tpu.memory_space<vmem>> -> memref<1x128xi32, #tpu.memory_space<vmem>>
        %dma_wait3A_132 = tpu.memref_squeeze %dma_wait3A_131 : memref<1x128xi32, #tpu.memory_space<vmem>> -> memref<128xi32, #tpu.memory_space<vmem>>
        %dma_wait3A_133 = arith.constant 0 : i32
        %dma_wait3A_134 = arith.constant 0 : i32
        %dma_wait3A_135 = tpu.memref_slice %arg10[%dma_wait3A_133, %dma_wait3A_134] : memref<10240x128xf32, #tpu.memory_space<vmem_shared>> -> memref<10240x128xf32, #tpu.memory_space<vmem_shared>>
        tpu.wait_indirect_dma semaphore(%run_scoped3A_123 : memref<!tpu.dma_semaphore, #tpu.memory_space<semaphore_mem>>) src(%arg9 : memref<128x128xf32, #tpu.memory_space<vmem>>) dst(%dma_wait3A_135 : memref<10240x128xf32, #tpu.memory_space<vmem_shared>>)
        tpu.yield
      }) : () -> ()
      %add3A_113 = arith.constant 2 : i32
      %add3A_114 = arith.addi %add3A_87, %add3A_113 : i32
      %dma_start3A_115 = arith.constant 0 : i32
      %dma_start3A_116 = arith.constant 0 : i32
      %dma_start3A_117 = tpu.memref_slice %arg3[%arg0, %arg1, %add3A_114, %dma_start3A_115, %dma_start3A_116] : memref<2x16x160x2x128xi32, #tpu.memory_space<hbm>> -> memref<1x1x1x2x128xi32, #tpu.memory_space<hbm>>
      %dma_start3A_118 = tpu.memref_squeeze %dma_start3A_117 : memref<1x1x1x2x128xi32, #tpu.memory_space<hbm>> -> memref<2x128xi32, #tpu.memory_space<hbm>>
      %dma_start3A_119 = arith.constant 0 : i32
      %dma_start3A_120 = arith.constant 0 : i32
      %dma_start3A_121 = tpu.memref_slice %arg3[%arg0, %arg1, %add3A_114, %dma_start3A_119, %dma_start3A_120] : memref<2x16x160x2x128xi32, #tpu.memory_space<hbm>> -> memref<1x1x1x2x128xi32, #tpu.memory_space<hbm>>
      %dma_start3A_122 = tpu.memref_squeeze %dma_start3A_121 : memref<1x1x1x2x128xi32, #tpu.memory_space<hbm>> -> memref<2x128xi32, #tpu.memory_space<hbm>>
      tpu.enqueue_dma source(%dma_start3A_122 : memref<2x128xi32, #tpu.memory_space<hbm>>) target(%arg7 : memref<2x128xi32, #tpu.memory_space<vmem>>) target_semaphore(%arg14 : memref<!tpu.dma_semaphore, #tpu.memory_space<semaphore_mem>>)
    }
    %scan3A_29 = arith.constant 79 : i32
    %dma_wait3A = arith.constant 0 : i32
    %dma_wait3A_30 = arith.constant 0 : i32
    %dma_wait3A_31 = tpu.memref_slice %arg6[%dma_wait3A, %dma_wait3A_30] : memref<2x128xi32, #tpu.memory_space<vmem>> -> memref<1x128xi32, #tpu.memory_space<vmem>>
    %dma_wait3A_32 = tpu.memref_squeeze %dma_wait3A_31 : memref<1x128xi32, #tpu.memory_space<vmem>> -> memref<128xi32, #tpu.memory_space<vmem>>
    %dma_wait3A_33 = arith.constant 0 : i32
    %dma_wait3A_34 = arith.constant 0 : i32
    %dma_wait3A_35 = tpu.memref_slice %arg2[%dma_wait3A_33, %dma_wait3A_34] : memref<20000x128xf32, #tpu.memory_space<hbm>> -> memref<20000x128xf32, #tpu.memory_space<hbm>>
    tpu.wait_indirect_dma semaphore(%arg11 : memref<!tpu.dma_semaphore, #tpu.memory_space<semaphore_mem>>) src(%dma_wait3A_35 : memref<20000x128xf32, #tpu.memory_space<hbm>>) dst(%arg8 : memref<128x128xf32, #tpu.memory_space<vmem>>)
    %dma_wait3A_36 = arith.constant 159 : i32
    %dma_wait3A_37 = arith.constant 0 : i32
    %dma_wait3A_38 = arith.constant 0 : i32
    %dma_wait3A_39 = tpu.memref_slice %arg3[%arg0, %arg1, %dma_wait3A_36, %dma_wait3A_37, %dma_wait3A_38] : memref<2x16x160x2x128xi32, #tpu.memory_space<hbm>> -> memref<1x1x1x2x128xi32, #tpu.memory_space<hbm>>
    %dma_wait3A_40 = tpu.memref_squeeze %dma_wait3A_39 : memref<1x1x1x2x128xi32, #tpu.memory_space<hbm>> -> memref<2x128xi32, #tpu.memory_space<hbm>>
    %dma_wait3A_41 = arith.constant 0 : i32
    %dma_wait3A_42 = arith.constant 0 : i32
    %dma_wait3A_43 = tpu.memref_slice %arg3[%arg0, %arg1, %dma_wait3A_36, %dma_wait3A_41, %dma_wait3A_42] : memref<2x16x160x2x128xi32, #tpu.memory_space<hbm>> -> memref<1x1x1x2x128xi32, #tpu.memory_space<hbm>>
    %dma_wait3A_44 = tpu.memref_squeeze %dma_wait3A_43 : memref<1x1x1x2x128xi32, #tpu.memory_space<hbm>> -> memref<2x128xi32, #tpu.memory_space<hbm>>
    tpu.wait_dma2 semaphore(%arg14 : memref<!tpu.dma_semaphore, #tpu.memory_space<semaphore_mem>>) src(%dma_wait3A_44 : memref<2x128xi32, #tpu.memory_space<hbm>>) dst(%arg7 : memref<2x128xi32, #tpu.memory_space<vmem>>)
    %barrier3A_45 = arith.constant 0 : index
    tpu.barrier barrier_id(%barrier3A_45)
    "tpu.region"() ({
      %run_scoped3A_46 = tpu.sem_alloc : memref<!tpu.dma_semaphore, #tpu.memory_space<semaphore_mem>>
      %dma_start3A_47 = arith.constant 0 : i32
      %dma_start3A_48 = tpu.memref_slice %arg5[%arg0, %mul3A_0, %dma_start3A_47] : memref<2x10240x128xf32, #tpu.memory_space<hbm>> -> memref<1x640x128xf32, #tpu.memory_space<hbm>>
      %dma_start3A_49 = tpu.memref_squeeze %dma_start3A_48 : memref<1x640x128xf32, #tpu.memory_space<hbm>> -> memref<640x128xf32, #tpu.memory_space<hbm>>
      %dma_start3A_50 = arith.constant 0 : i32
      %dma_start3A_51 = tpu.memref_slice %arg10[%mul3A_0, %dma_start3A_50] : memref<10240x128xf32, #tpu.memory_space<vmem_shared>> -> memref<640x128xf32, #tpu.memory_space<vmem_shared>>
      tpu.enqueue_dma source(%dma_start3A_51 : memref<640x128xf32, #tpu.memory_space<vmem_shared>>) target(%dma_start3A_49 : memref<640x128xf32, #tpu.memory_space<hbm>>) target_semaphore(%run_scoped3A_46 : memref<!tpu.dma_semaphore, #tpu.memory_space<semaphore_mem>>)
      %dma_wait3A_52 = arith.constant 0 : i32
      %dma_wait3A_53 = tpu.memref_slice %arg5[%arg0, %mul3A_0, %dma_wait3A_52] : memref<2x10240x128xf32, #tpu.memory_space<hbm>> -> memref<1x640x128xf32, #tpu.memory_space<hbm>>
      %dma_wait3A_54 = tpu.memref_squeeze %dma_wait3A_53 : memref<1x640x128xf32, #tpu.memory_space<hbm>> -> memref<640x128xf32, #tpu.memory_space<hbm>>
      %dma_wait3A_55 = arith.constant 0 : i32
      %dma_wait3A_56 = tpu.memref_slice %arg10[%mul3A_0, %dma_wait3A_55] : memref<10240x128xf32, #tpu.memory_space<vmem_shared>> -> memref<640x128xf32, #tpu.memory_space<vmem_shared>>
      tpu.wait_dma2 semaphore(%run_scoped3A_46 : memref<!tpu.dma_semaphore, #tpu.memory_space<semaphore_mem>>) src(%dma_wait3A_56 : memref<640x128xf32, #tpu.memory_space<vmem_shared>>) dst(%dma_wait3A_54 : memref<640x128xf32, #tpu.memory_space<hbm>>)
      tpu.yield
    }) : () -> ()
    return
  }
}

#map = affine_map<(d0, d1) -> (0, 0)>
#map1 = affine_map<(d0, d1) -> (0, 0, 0, 0, 0)>
#map2 = affine_map<(d0, d1) -> (0)>
#map3 = affine_map<(d0, d1) -> (0, 0, 0)>
module attributes {stable_mosaic.version = 14 : i64} {
  func.func @body(%arg0: i32, %arg1: i32, %arg2: memref<20000x128xf32, #tpu.memory_space<hbm>>, %arg3: memref<2x16x160x2x128xi32, #tpu.memory_space<hbm>>, %arg4: memref<128x128xf32, #tpu.memory_space<hbm>>, %arg5: memref<10240xf32, #tpu.memory_space<hbm>>, %arg6: memref<2x10240x128xf32, #tpu.memory_space<hbm>>, %arg7: memref<2x16x10240xf32, #tpu.memory_space<hbm>>, %arg8: memref<2x128xi32, #tpu.memory_space<vmem>>, %arg9: memref<2x128xi32, #tpu.memory_space<vmem>>, %arg10: memref<128x128xf32, #tpu.memory_space<vmem>>, %arg11: memref<128x128xf32, #tpu.memory_space<vmem>>, %arg12: memref<10240x128xf32, #tpu.memory_space<vmem_shared>>, %arg13: memref<!tpu.dma_semaphore, #tpu.memory_space<semaphore_mem>>, %arg14: memref<!tpu.dma_semaphore, #tpu.memory_space<semaphore_mem>>, %arg15: memref<!tpu.dma_semaphore, #tpu.memory_space<semaphore_mem>>, %arg16: memref<!tpu.dma_semaphore, #tpu.memory_space<semaphore_mem>>, %arg17: memref<10240xf32, #tpu.memory_space<vmem>>) attributes {dimension_semantics = [#tpu.dimension_semantics<core_parallel>, #tpu.dimension_semantics<subcore_parallel>], iteration_bounds = array<i64: 2, 16>, scalar_prefetch = 0 : i64, scratch_operands = 10 : i64, tpu.core_type = #tpu.core_type<sc_vector_subcore>, window_params = [{transform_indices = #map}, {transform_indices = #map1}, {transform_indices = #map}, {transform_indices = #map2}, {transform_indices = #map3}, {transform_indices = #map3}]} {
    %mul3A = arith.constant 640 : i32
    %mul3A_0 = arith.muli %arg1, %mul3A : i32
    "tpu.region"() ({
      %run_scoped3A_47 = tpu.sem_alloc : memref<!tpu.dma_semaphore, #tpu.memory_space<semaphore_mem>>
      tpu.enqueue_dma source(%arg4 : memref<128x128xf32, #tpu.memory_space<hbm>>) target(%arg10 : memref<128x128xf32, #tpu.memory_space<vmem>>) target_semaphore(%run_scoped3A_47 : memref<!tpu.dma_semaphore, #tpu.memory_space<semaphore_mem>>)
      tpu.wait_dma2 semaphore(%run_scoped3A_47 : memref<!tpu.dma_semaphore, #tpu.memory_space<semaphore_mem>>) src(%arg4 : memref<128x128xf32, #tpu.memory_space<hbm>>) dst(%arg10 : memref<128x128xf32, #tpu.memory_space<vmem>>)
      tpu.yield
    }) : () -> ()
    %add3A = arith.constant 0 : i32
    %add3A_1 = arith.addi %mul3A_0, %add3A : i32
    "tpu.region"() ({
      %run_scoped3A_47 = tpu.sem_alloc : memref<!tpu.dma_semaphore, #tpu.memory_space<semaphore_mem>>
      %dma_start3A_48 = arith.constant 0 : i32
      %dma_start3A_49 = tpu.memref_slice %arg12[%add3A_1, %dma_start3A_48] : memref<10240x128xf32, #tpu.memory_space<vmem_shared>> -> memref<128x128xf32, #tpu.memory_space<vmem_shared>>
      %dma_start3A_50 = arith.constant 0 : i32
      %dma_start3A_51 = tpu.memref_slice %arg12[%add3A_1, %dma_start3A_50] : memref<10240x128xf32, #tpu.memory_space<vmem_shared>> -> memref<128x128xf32, #tpu.memory_space<vmem_shared>>
      tpu.enqueue_dma source(%arg10 : memref<128x128xf32, #tpu.memory_space<vmem>>) target(%dma_start3A_51 : memref<128x128xf32, #tpu.memory_space<vmem_shared>>) target_semaphore(%run_scoped3A_47 : memref<!tpu.dma_semaphore, #tpu.memory_space<semaphore_mem>>)
      %dma_wait3A_52 = arith.constant 0 : i32
      %dma_wait3A_53 = tpu.memref_slice %arg12[%add3A_1, %dma_wait3A_52] : memref<10240x128xf32, #tpu.memory_space<vmem_shared>> -> memref<128x128xf32, #tpu.memory_space<vmem_shared>>
      %dma_wait3A_54 = arith.constant 0 : i32
      %dma_wait3A_55 = tpu.memref_slice %arg12[%add3A_1, %dma_wait3A_54] : memref<10240x128xf32, #tpu.memory_space<vmem_shared>> -> memref<128x128xf32, #tpu.memory_space<vmem_shared>>
      tpu.wait_dma2 semaphore(%run_scoped3A_47 : memref<!tpu.dma_semaphore, #tpu.memory_space<semaphore_mem>>) src(%arg10 : memref<128x128xf32, #tpu.memory_space<vmem>>) dst(%dma_wait3A_55 : memref<128x128xf32, #tpu.memory_space<vmem_shared>>)
      tpu.yield
    }) : () -> ()
    %add3A_2 = arith.constant 128 : i32
    %add3A_3 = arith.addi %mul3A_0, %add3A_2 : i32
    "tpu.region"() ({
      %run_scoped3A_47 = tpu.sem_alloc : memref<!tpu.dma_semaphore, #tpu.memory_space<semaphore_mem>>
      %dma_start3A_48 = arith.constant 0 : i32
      %dma_start3A_49 = tpu.memref_slice %arg12[%add3A_3, %dma_start3A_48] : memref<10240x128xf32, #tpu.memory_space<vmem_shared>> -> memref<128x128xf32, #tpu.memory_space<vmem_shared>>
      %dma_start3A_50 = arith.constant 0 : i32
      %dma_start3A_51 = tpu.memref_slice %arg12[%add3A_3, %dma_start3A_50] : memref<10240x128xf32, #tpu.memory_space<vmem_shared>> -> memref<128x128xf32, #tpu.memory_space<vmem_shared>>
      tpu.enqueue_dma source(%arg10 : memref<128x128xf32, #tpu.memory_space<vmem>>) target(%dma_start3A_51 : memref<128x128xf32, #tpu.memory_space<vmem_shared>>) target_semaphore(%run_scoped3A_47 : memref<!tpu.dma_semaphore, #tpu.memory_space<semaphore_mem>>)
      %dma_wait3A_52 = arith.constant 0 : i32
      %dma_wait3A_53 = tpu.memref_slice %arg12[%add3A_3, %dma_wait3A_52] : memref<10240x128xf32, #tpu.memory_space<vmem_shared>> -> memref<128x128xf32, #tpu.memory_space<vmem_shared>>
      %dma_wait3A_54 = arith.constant 0 : i32
      %dma_wait3A_55 = tpu.memref_slice %arg12[%add3A_3, %dma_wait3A_54] : memref<10240x128xf32, #tpu.memory_space<vmem_shared>> -> memref<128x128xf32, #tpu.memory_space<vmem_shared>>
      tpu.wait_dma2 semaphore(%run_scoped3A_47 : memref<!tpu.dma_semaphore, #tpu.memory_space<semaphore_mem>>) src(%arg10 : memref<128x128xf32, #tpu.memory_space<vmem>>) dst(%dma_wait3A_55 : memref<128x128xf32, #tpu.memory_space<vmem_shared>>)
      tpu.yield
    }) : () -> ()
    %add3A_4 = arith.constant 256 : i32
    %add3A_5 = arith.addi %mul3A_0, %add3A_4 : i32
    "tpu.region"() ({
      %run_scoped3A_47 = tpu.sem_alloc : memref<!tpu.dma_semaphore, #tpu.memory_space<semaphore_mem>>
      %dma_start3A_48 = arith.constant 0 : i32
      %dma_start3A_49 = tpu.memref_slice %arg12[%add3A_5, %dma_start3A_48] : memref<10240x128xf32, #tpu.memory_space<vmem_shared>> -> memref<128x128xf32, #tpu.memory_space<vmem_shared>>
      %dma_start3A_50 = arith.constant 0 : i32
      %dma_start3A_51 = tpu.memref_slice %arg12[%add3A_5, %dma_start3A_50] : memref<10240x128xf32, #tpu.memory_space<vmem_shared>> -> memref<128x128xf32, #tpu.memory_space<vmem_shared>>
      tpu.enqueue_dma source(%arg10 : memref<128x128xf32, #tpu.memory_space<vmem>>) target(%dma_start3A_51 : memref<128x128xf32, #tpu.memory_space<vmem_shared>>) target_semaphore(%run_scoped3A_47 : memref<!tpu.dma_semaphore, #tpu.memory_space<semaphore_mem>>)
      %dma_wait3A_52 = arith.constant 0 : i32
      %dma_wait3A_53 = tpu.memref_slice %arg12[%add3A_5, %dma_wait3A_52] : memref<10240x128xf32, #tpu.memory_space<vmem_shared>> -> memref<128x128xf32, #tpu.memory_space<vmem_shared>>
      %dma_wait3A_54 = arith.constant 0 : i32
      %dma_wait3A_55 = tpu.memref_slice %arg12[%add3A_5, %dma_wait3A_54] : memref<10240x128xf32, #tpu.memory_space<vmem_shared>> -> memref<128x128xf32, #tpu.memory_space<vmem_shared>>
      tpu.wait_dma2 semaphore(%run_scoped3A_47 : memref<!tpu.dma_semaphore, #tpu.memory_space<semaphore_mem>>) src(%arg10 : memref<128x128xf32, #tpu.memory_space<vmem>>) dst(%dma_wait3A_55 : memref<128x128xf32, #tpu.memory_space<vmem_shared>>)
      tpu.yield
    }) : () -> ()
    %add3A_6 = arith.constant 384 : i32
    %add3A_7 = arith.addi %mul3A_0, %add3A_6 : i32
    "tpu.region"() ({
      %run_scoped3A_47 = tpu.sem_alloc : memref<!tpu.dma_semaphore, #tpu.memory_space<semaphore_mem>>
      %dma_start3A_48 = arith.constant 0 : i32
      %dma_start3A_49 = tpu.memref_slice %arg12[%add3A_7, %dma_start3A_48] : memref<10240x128xf32, #tpu.memory_space<vmem_shared>> -> memref<128x128xf32, #tpu.memory_space<vmem_shared>>
      %dma_start3A_50 = arith.constant 0 : i32
      %dma_start3A_51 = tpu.memref_slice %arg12[%add3A_7, %dma_start3A_50] : memref<10240x128xf32, #tpu.memory_space<vmem_shared>> -> memref<128x128xf32, #tpu.memory_space<vmem_shared>>
      tpu.enqueue_dma source(%arg10 : memref<128x128xf32, #tpu.memory_space<vmem>>) target(%dma_start3A_51 : memref<128x128xf32, #tpu.memory_space<vmem_shared>>) target_semaphore(%run_scoped3A_47 : memref<!tpu.dma_semaphore, #tpu.memory_space<semaphore_mem>>)
      %dma_wait3A_52 = arith.constant 0 : i32
      %dma_wait3A_53 = tpu.memref_slice %arg12[%add3A_7, %dma_wait3A_52] : memref<10240x128xf32, #tpu.memory_space<vmem_shared>> -> memref<128x128xf32, #tpu.memory_space<vmem_shared>>
      %dma_wait3A_54 = arith.constant 0 : i32
      %dma_wait3A_55 = tpu.memref_slice %arg12[%add3A_7, %dma_wait3A_54] : memref<10240x128xf32, #tpu.memory_space<vmem_shared>> -> memref<128x128xf32, #tpu.memory_space<vmem_shared>>
      tpu.wait_dma2 semaphore(%run_scoped3A_47 : memref<!tpu.dma_semaphore, #tpu.memory_space<semaphore_mem>>) src(%arg10 : memref<128x128xf32, #tpu.memory_space<vmem>>) dst(%dma_wait3A_55 : memref<128x128xf32, #tpu.memory_space<vmem_shared>>)
      tpu.yield
    }) : () -> ()
    %add3A_8 = arith.constant 512 : i32
    %add3A_9 = arith.addi %mul3A_0, %add3A_8 : i32
    "tpu.region"() ({
      %run_scoped3A_47 = tpu.sem_alloc : memref<!tpu.dma_semaphore, #tpu.memory_space<semaphore_mem>>
      %dma_start3A_48 = arith.constant 0 : i32
      %dma_start3A_49 = tpu.memref_slice %arg12[%add3A_9, %dma_start3A_48] : memref<10240x128xf32, #tpu.memory_space<vmem_shared>> -> memref<128x128xf32, #tpu.memory_space<vmem_shared>>
      %dma_start3A_50 = arith.constant 0 : i32
      %dma_start3A_51 = tpu.memref_slice %arg12[%add3A_9, %dma_start3A_50] : memref<10240x128xf32, #tpu.memory_space<vmem_shared>> -> memref<128x128xf32, #tpu.memory_space<vmem_shared>>
      tpu.enqueue_dma source(%arg10 : memref<128x128xf32, #tpu.memory_space<vmem>>) target(%dma_start3A_51 : memref<128x128xf32, #tpu.memory_space<vmem_shared>>) target_semaphore(%run_scoped3A_47 : memref<!tpu.dma_semaphore, #tpu.memory_space<semaphore_mem>>)
      %dma_wait3A_52 = arith.constant 0 : i32
      %dma_wait3A_53 = tpu.memref_slice %arg12[%add3A_9, %dma_wait3A_52] : memref<10240x128xf32, #tpu.memory_space<vmem_shared>> -> memref<128x128xf32, #tpu.memory_space<vmem_shared>>
      %dma_wait3A_54 = arith.constant 0 : i32
      %dma_wait3A_55 = tpu.memref_slice %arg12[%add3A_9, %dma_wait3A_54] : memref<10240x128xf32, #tpu.memory_space<vmem_shared>> -> memref<128x128xf32, #tpu.memory_space<vmem_shared>>
      tpu.wait_dma2 semaphore(%run_scoped3A_47 : memref<!tpu.dma_semaphore, #tpu.memory_space<semaphore_mem>>) src(%arg10 : memref<128x128xf32, #tpu.memory_space<vmem>>) dst(%dma_wait3A_55 : memref<128x128xf32, #tpu.memory_space<vmem_shared>>)
      tpu.yield
    }) : () -> ()
    "tpu.region"() ({
      %run_scoped3A_47 = tpu.sem_alloc : memref<!tpu.dma_semaphore, #tpu.memory_space<semaphore_mem>>
      tpu.enqueue_dma source(%arg5 : memref<10240xf32, #tpu.memory_space<hbm>>) target(%arg17 : memref<10240xf32, #tpu.memory_space<vmem>>) target_semaphore(%run_scoped3A_47 : memref<!tpu.dma_semaphore, #tpu.memory_space<semaphore_mem>>)
      tpu.wait_dma2 semaphore(%run_scoped3A_47 : memref<!tpu.dma_semaphore, #tpu.memory_space<semaphore_mem>>) src(%arg5 : memref<10240xf32, #tpu.memory_space<hbm>>) dst(%arg17 : memref<10240xf32, #tpu.memory_space<vmem>>)
      tpu.yield
    }) : () -> ()
    %broadcast_in_dim3A = arith.constant 1.000000e+00 : f32
    %broadcast_in_dim3A_10 = vector.broadcast %broadcast_in_dim3A : f32 to vector<16xf32>
    %barrier3A = arith.constant 0 : index
    tpu.barrier barrier_id(%barrier3A)
    %run_scoped3A = arith.constant 0 : i32
    "tpu.region"() ({
      %run_scoped3A_47 = tpu.sem_alloc : memref<!tpu.dma_semaphore, #tpu.memory_space<semaphore_mem>>
      %dma_start3A_48 = arith.constant 0 : i32
      %dma_start3A_49 = arith.constant 0 : i32
      %dma_start3A_50 = tpu.memref_slice %arg3[%arg0, %arg1, %run_scoped3A, %dma_start3A_48, %dma_start3A_49] : memref<2x16x160x2x128xi32, #tpu.memory_space<hbm>> -> memref<1x1x1x2x128xi32, #tpu.memory_space<hbm>>
      %dma_start3A_51 = tpu.memref_squeeze %dma_start3A_50 : memref<1x1x1x2x128xi32, #tpu.memory_space<hbm>> -> memref<2x128xi32, #tpu.memory_space<hbm>>
      %dma_start3A_52 = arith.constant 0 : i32
      %dma_start3A_53 = arith.constant 0 : i32
      %dma_start3A_54 = tpu.memref_slice %arg3[%arg0, %arg1, %run_scoped3A, %dma_start3A_52, %dma_start3A_53] : memref<2x16x160x2x128xi32, #tpu.memory_space<hbm>> -> memref<1x1x1x2x128xi32, #tpu.memory_space<hbm>>
      %dma_start3A_55 = tpu.memref_squeeze %dma_start3A_54 : memref<1x1x1x2x128xi32, #tpu.memory_space<hbm>> -> memref<2x128xi32, #tpu.memory_space<hbm>>
      tpu.enqueue_dma source(%dma_start3A_55 : memref<2x128xi32, #tpu.memory_space<hbm>>) target(%arg8 : memref<2x128xi32, #tpu.memory_space<vmem>>) target_semaphore(%run_scoped3A_47 : memref<!tpu.dma_semaphore, #tpu.memory_space<semaphore_mem>>)
      %dma_wait3A_56 = arith.constant 0 : i32
      %dma_wait3A_57 = arith.constant 0 : i32
      %dma_wait3A_58 = tpu.memref_slice %arg3[%arg0, %arg1, %run_scoped3A, %dma_wait3A_56, %dma_wait3A_57] : memref<2x16x160x2x128xi32, #tpu.memory_space<hbm>> -> memref<1x1x1x2x128xi32, #tpu.memory_space<hbm>>
      %dma_wait3A_59 = tpu.memref_squeeze %dma_wait3A_58 : memref<1x1x1x2x128xi32, #tpu.memory_space<hbm>> -> memref<2x128xi32, #tpu.memory_space<hbm>>
      %dma_wait3A_60 = arith.constant 0 : i32
      %dma_wait3A_61 = arith.constant 0 : i32
      %dma_wait3A_62 = tpu.memref_slice %arg3[%arg0, %arg1, %run_scoped3A, %dma_wait3A_60, %dma_wait3A_61] : memref<2x16x160x2x128xi32, #tpu.memory_space<hbm>> -> memref<1x1x1x2x128xi32, #tpu.memory_space<hbm>>
      %dma_wait3A_63 = tpu.memref_squeeze %dma_wait3A_62 : memref<1x1x1x2x128xi32, #tpu.memory_space<hbm>> -> memref<2x128xi32, #tpu.memory_space<hbm>>
      tpu.wait_dma2 semaphore(%run_scoped3A_47 : memref<!tpu.dma_semaphore, #tpu.memory_space<semaphore_mem>>) src(%dma_wait3A_63 : memref<2x128xi32, #tpu.memory_space<hbm>>) dst(%arg8 : memref<2x128xi32, #tpu.memory_space<vmem>>)
      tpu.yield
    }) : () -> ()
    %dma_start3A = arith.constant 0 : i32
    %dma_start3A_11 = arith.constant 0 : i32
    %dma_start3A_12 = tpu.memref_slice %arg8[%dma_start3A, %dma_start3A_11] : memref<2x128xi32, #tpu.memory_space<vmem>> -> memref<1x128xi32, #tpu.memory_space<vmem>>
    %dma_start3A_13 = tpu.memref_squeeze %dma_start3A_12 : memref<1x128xi32, #tpu.memory_space<vmem>> -> memref<128xi32, #tpu.memory_space<vmem>>
    %dma_start3A_14 = arith.constant 0 : i32
    %dma_start3A_15 = arith.constant 0 : i32
    %dma_start3A_16 = tpu.memref_slice %arg2[%dma_start3A_14, %dma_start3A_15] : memref<20000x128xf32, #tpu.memory_space<hbm>> -> memref<20000x128xf32, #tpu.memory_space<hbm>>
    tpu.enqueue_indirect_dma source(%dma_start3A_16 : memref<20000x128xf32, #tpu.memory_space<hbm>>) target(%arg10 : memref<128x128xf32, #tpu.memory_space<vmem>>) offsets(%dma_start3A_13 : memref<128xi32, #tpu.memory_space<vmem>>) semaphore(%arg13 : memref<!tpu.dma_semaphore, #tpu.memory_space<semaphore_mem>>)
    %dma_start3A_17 = arith.constant 1 : i32
    %dma_start3A_18 = arith.constant 0 : i32
    %dma_start3A_19 = arith.constant 0 : i32
    %dma_start3A_20 = tpu.memref_slice %arg3[%arg0, %arg1, %dma_start3A_17, %dma_start3A_18, %dma_start3A_19] : memref<2x16x160x2x128xi32, #tpu.memory_space<hbm>> -> memref<1x1x1x2x128xi32, #tpu.memory_space<hbm>>
    %dma_start3A_21 = tpu.memref_squeeze %dma_start3A_20 : memref<1x1x1x2x128xi32, #tpu.memory_space<hbm>> -> memref<2x128xi32, #tpu.memory_space<hbm>>
    %dma_start3A_22 = arith.constant 0 : i32
    %dma_start3A_23 = arith.constant 0 : i32
    %dma_start3A_24 = tpu.memref_slice %arg3[%arg0, %arg1, %dma_start3A_17, %dma_start3A_22, %dma_start3A_23] : memref<2x16x160x2x128xi32, #tpu.memory_space<hbm>> -> memref<1x1x1x2x128xi32, #tpu.memory_space<hbm>>
    %dma_start3A_25 = tpu.memref_squeeze %dma_start3A_24 : memref<1x1x1x2x128xi32, #tpu.memory_space<hbm>> -> memref<2x128xi32, #tpu.memory_space<hbm>>
    tpu.enqueue_dma source(%dma_start3A_25 : memref<2x128xi32, #tpu.memory_space<hbm>>) target(%arg9 : memref<2x128xi32, #tpu.memory_space<vmem>>) target_semaphore(%arg16 : memref<!tpu.dma_semaphore, #tpu.memory_space<semaphore_mem>>)
    %scan3A = arith.constant 0 : i32
    %scan3A_26 = arith.constant 0 : i32
    %scan3A_27 = arith.constant 79 : i32
    %scan3A_28 = arith.addi %scan3A_26, %scan3A_27 : i32
    %scan3A_29 = arith.constant 1 : i32
    scf.for %scan3A_47 = %scan3A_26 to %scan3A_28 step %scan3A_29  : i32 {
      %mul3A_48 = arith.constant 2 : i32
      %mul3A_49 = arith.muli %scan3A_47, %mul3A_48 : i32
      %add3A_50 = arith.constant 0 : i32
      %add3A_51 = arith.addi %mul3A_49, %add3A_50 : i32
      %add3A_52 = arith.constant 1 : i32
      %add3A_53 = arith.addi %add3A_51, %add3A_52 : i32
      %dma_wait3A_54 = arith.constant 0 : i32
      %dma_wait3A_55 = arith.constant 0 : i32
      %dma_wait3A_56 = tpu.memref_slice %arg3[%arg0, %arg1, %add3A_53, %dma_wait3A_54, %dma_wait3A_55] : memref<2x16x160x2x128xi32, #tpu.memory_space<hbm>> -> memref<1x1x1x2x128xi32, #tpu.memory_space<hbm>>
      %dma_wait3A_57 = tpu.memref_squeeze %dma_wait3A_56 : memref<1x1x1x2x128xi32, #tpu.memory_space<hbm>> -> memref<2x128xi32, #tpu.memory_space<hbm>>
      %dma_wait3A_58 = arith.constant 0 : i32
      %dma_wait3A_59 = arith.constant 0 : i32
      %dma_wait3A_60 = tpu.memref_slice %arg3[%arg0, %arg1, %add3A_53, %dma_wait3A_58, %dma_wait3A_59] : memref<2x16x160x2x128xi32, #tpu.memory_space<hbm>> -> memref<1x1x1x2x128xi32, #tpu.memory_space<hbm>>
      %dma_wait3A_61 = tpu.memref_squeeze %dma_wait3A_60 : memref<1x1x1x2x128xi32, #tpu.memory_space<hbm>> -> memref<2x128xi32, #tpu.memory_space<hbm>>
      tpu.wait_dma2 semaphore(%arg16 : memref<!tpu.dma_semaphore, #tpu.memory_space<semaphore_mem>>) src(%dma_wait3A_61 : memref<2x128xi32, #tpu.memory_space<hbm>>) dst(%arg9 : memref<2x128xi32, #tpu.memory_space<vmem>>)
      %dma_start3A_62 = arith.constant 0 : i32
      %dma_start3A_63 = arith.constant 0 : i32
      %dma_start3A_64 = tpu.memref_slice %arg9[%dma_start3A_62, %dma_start3A_63] : memref<2x128xi32, #tpu.memory_space<vmem>> -> memref<1x128xi32, #tpu.memory_space<vmem>>
      %dma_start3A_65 = tpu.memref_squeeze %dma_start3A_64 : memref<1x128xi32, #tpu.memory_space<vmem>> -> memref<128xi32, #tpu.memory_space<vmem>>
      %dma_start3A_66 = arith.constant 0 : i32
      %dma_start3A_67 = arith.constant 0 : i32
      %dma_start3A_68 = tpu.memref_slice %arg2[%dma_start3A_66, %dma_start3A_67] : memref<20000x128xf32, #tpu.memory_space<hbm>> -> memref<20000x128xf32, #tpu.memory_space<hbm>>
      tpu.enqueue_indirect_dma source(%dma_start3A_68 : memref<20000x128xf32, #tpu.memory_space<hbm>>) target(%arg11 : memref<128x128xf32, #tpu.memory_space<vmem>>) offsets(%dma_start3A_65 : memref<128xi32, #tpu.memory_space<vmem>>) semaphore(%arg14 : memref<!tpu.dma_semaphore, #tpu.memory_space<semaphore_mem>>)
      %get3A = arith.constant 1 : i32
      %get3A_69 = arith.index_cast %get3A : i32 to index
      %get3A_70 = arith.constant 0 : index
      %get3A_71 = tpu.vector_load %arg8[%get3A_69, %get3A_70] {strides = array<i32>} : memref<2x128xi32, #tpu.memory_space<vmem>>, vector<16xi32>,
      tpu.vector_store_idx %arg17[%get3A_71], %broadcast_in_dim3A_10 {add = true} : memref<10240xf32, #tpu.memory_space<vmem>>[vector<16xi32>], vector<16xf32>,
      %get3A_72 = arith.constant 1 : i32
      %get3A_73 = arith.index_cast %get3A_72 : i32 to index
      %get3A_74 = arith.constant 16 : index
      %get3A_75 = tpu.vector_load %arg8[%get3A_73, %get3A_74] {strides = array<i32>} : memref<2x128xi32, #tpu.memory_space<vmem>>, vector<16xi32>,
      tpu.vector_store_idx %arg17[%get3A_75], %broadcast_in_dim3A_10 {add = true} : memref<10240xf32, #tpu.memory_space<vmem>>[vector<16xi32>], vector<16xf32>,
      %get3A_76 = arith.constant 1 : i32
      %get3A_77 = arith.index_cast %get3A_76 : i32 to index
      %get3A_78 = arith.constant 32 : index
      %get3A_79 = tpu.vector_load %arg8[%get3A_77, %get3A_78] {strides = array<i32>} : memref<2x128xi32, #tpu.memory_space<vmem>>, vector<16xi32>,
      tpu.vector_store_idx %arg17[%get3A_79], %broadcast_in_dim3A_10 {add = true} : memref<10240xf32, #tpu.memory_space<vmem>>[vector<16xi32>], vector<16xf32>,
      %get3A_80 = arith.constant 1 : i32
      %get3A_81 = arith.index_cast %get3A_80 : i32 to index
      %get3A_82 = arith.constant 48 : index
      %get3A_83 = tpu.vector_load %arg8[%get3A_81, %get3A_82] {strides = array<i32>} : memref<2x128xi32, #tpu.memory_space<vmem>>, vector<16xi32>,
      tpu.vector_store_idx %arg17[%get3A_83], %broadcast_in_dim3A_10 {add = true} : memref<10240xf32, #tpu.memory_space<vmem>>[vector<16xi32>], vector<16xf32>,
      %get3A_84 = arith.constant 1 : i32
      %get3A_85 = arith.index_cast %get3A_84 : i32 to index
      %get3A_86 = arith.constant 64 : index
      %get3A_87 = tpu.vector_load %arg8[%get3A_85, %get3A_86] {strides = array<i32>} : memref<2x128xi32, #tpu.memory_space<vmem>>, vector<16xi32>,
      tpu.vector_store_idx %arg17[%get3A_87], %broadcast_in_dim3A_10 {add = true} : memref<10240xf32, #tpu.memory_space<vmem>>[vector<16xi32>], vector<16xf32>,
      %get3A_88 = arith.constant 1 : i32
      %get3A_89 = arith.index_cast %get3A_88 : i32 to index
      %get3A_90 = arith.constant 80 : index
      %get3A_91 = tpu.vector_load %arg8[%get3A_89, %get3A_90] {strides = array<i32>} : memref<2x128xi32, #tpu.memory_space<vmem>>, vector<16xi32>,
      tpu.vector_store_idx %arg17[%get3A_91], %broadcast_in_dim3A_10 {add = true} : memref<10240xf32, #tpu.memory_space<vmem>>[vector<16xi32>], vector<16xf32>,
      %get3A_92 = arith.constant 1 : i32
      %get3A_93 = arith.index_cast %get3A_92 : i32 to index
      %get3A_94 = arith.constant 96 : index
      %get3A_95 = tpu.vector_load %arg8[%get3A_93, %get3A_94] {strides = array<i32>} : memref<2x128xi32, #tpu.memory_space<vmem>>, vector<16xi32>,
      tpu.vector_store_idx %arg17[%get3A_95], %broadcast_in_dim3A_10 {add = true} : memref<10240xf32, #tpu.memory_space<vmem>>[vector<16xi32>], vector<16xf32>,
      %get3A_96 = arith.constant 1 : i32
      %get3A_97 = arith.index_cast %get3A_96 : i32 to index
      %get3A_98 = arith.constant 112 : index
      %get3A_99 = tpu.vector_load %arg8[%get3A_97, %get3A_98] {strides = array<i32>} : memref<2x128xi32, #tpu.memory_space<vmem>>, vector<16xi32>,
      tpu.vector_store_idx %arg17[%get3A_99], %broadcast_in_dim3A_10 {add = true} : memref<10240xf32, #tpu.memory_space<vmem>>[vector<16xi32>], vector<16xf32>,
      %dma_wait3A_100 = arith.constant 0 : i32
      %dma_wait3A_101 = arith.constant 0 : i32
      %dma_wait3A_102 = tpu.memref_slice %arg8[%dma_wait3A_100, %dma_wait3A_101] : memref<2x128xi32, #tpu.memory_space<vmem>> -> memref<1x128xi32, #tpu.memory_space<vmem>>
      %dma_wait3A_103 = tpu.memref_squeeze %dma_wait3A_102 : memref<1x128xi32, #tpu.memory_space<vmem>> -> memref<128xi32, #tpu.memory_space<vmem>>
      %dma_wait3A_104 = arith.constant 0 : i32
      %dma_wait3A_105 = arith.constant 0 : i32
      %dma_wait3A_106 = tpu.memref_slice %arg2[%dma_wait3A_104, %dma_wait3A_105] : memref<20000x128xf32, #tpu.memory_space<hbm>> -> memref<20000x128xf32, #tpu.memory_space<hbm>>
      tpu.wait_indirect_dma semaphore(%arg13 : memref<!tpu.dma_semaphore, #tpu.memory_space<semaphore_mem>>) src(%dma_wait3A_106 : memref<20000x128xf32, #tpu.memory_space<hbm>>) dst(%arg10 : memref<128x128xf32, #tpu.memory_space<vmem>>)
      %run_scoped3A_107 = arith.constant 1 : i32
      "tpu.region"() ({
        %run_scoped3A_187 = tpu.sem_alloc : memref<!tpu.dma_semaphore, #tpu.memory_space<semaphore_mem>>
        %dma_start3A_188 = arith.constant 0 : i32
        %dma_start3A_189 = tpu.memref_slice %arg8[%run_scoped3A_107, %dma_start3A_188] : memref<2x128xi32, #tpu.memory_space<vmem>> -> memref<1x128xi32, #tpu.memory_space<vmem>>
        %dma_start3A_190 = tpu.memref_squeeze %dma_start3A_189 : memref<1x128xi32, #tpu.memory_space<vmem>> -> memref<128xi32, #tpu.memory_space<vmem>>
        %dma_start3A_191 = arith.constant 0 : i32
        %dma_start3A_192 = arith.constant 0 : i32
        %dma_start3A_193 = tpu.memref_slice %arg12[%dma_start3A_191, %dma_start3A_192] : memref<10240x128xf32, #tpu.memory_space<vmem_shared>> -> memref<10240x128xf32, #tpu.memory_space<vmem_shared>>
        tpu.enqueue_indirect_dma source(%arg10 : memref<128x128xf32, #tpu.memory_space<vmem>>) target(%dma_start3A_193 : memref<10240x128xf32, #tpu.memory_space<vmem_shared>>) offsets(%dma_start3A_190 : memref<128xi32, #tpu.memory_space<vmem>>) semaphore(%run_scoped3A_187 : memref<!tpu.dma_semaphore, #tpu.memory_space<semaphore_mem>>) {add = true}
        %dma_wait3A_194 = arith.constant 0 : i32
        %dma_wait3A_195 = tpu.memref_slice %arg8[%run_scoped3A_107, %dma_wait3A_194] : memref<2x128xi32, #tpu.memory_space<vmem>> -> memref<1x128xi32, #tpu.memory_space<vmem>>
        %dma_wait3A_196 = tpu.memref_squeeze %dma_wait3A_195 : memref<1x128xi32, #tpu.memory_space<vmem>> -> memref<128xi32, #tpu.memory_space<vmem>>
        %dma_wait3A_197 = arith.constant 0 : i32
        %dma_wait3A_198 = arith.constant 0 : i32
        %dma_wait3A_199 = tpu.memref_slice %arg12[%dma_wait3A_197, %dma_wait3A_198] : memref<10240x128xf32, #tpu.memory_space<vmem_shared>> -> memref<10240x128xf32, #tpu.memory_space<vmem_shared>>
        tpu.wait_indirect_dma semaphore(%run_scoped3A_187 : memref<!tpu.dma_semaphore, #tpu.memory_space<semaphore_mem>>) src(%arg10 : memref<128x128xf32, #tpu.memory_space<vmem>>) dst(%dma_wait3A_199 : memref<10240x128xf32, #tpu.memory_space<vmem_shared>>)
        tpu.yield
      }) : () -> ()
      %add3A_108 = arith.constant 2 : i32
      %add3A_109 = arith.addi %add3A_51, %add3A_108 : i32
      %dma_start3A_110 = arith.constant 0 : i32
      %dma_start3A_111 = arith.constant 0 : i32
      %dma_start3A_112 = tpu.memref_slice %arg3[%arg0, %arg1, %add3A_109, %dma_start3A_110, %dma_start3A_111] : memref<2x16x160x2x128xi32, #tpu.memory_space<hbm>> -> memref<1x1x1x2x128xi32, #tpu.memory_space<hbm>>
      %dma_start3A_113 = tpu.memref_squeeze %dma_start3A_112 : memref<1x1x1x2x128xi32, #tpu.memory_space<hbm>> -> memref<2x128xi32, #tpu.memory_space<hbm>>
      %dma_start3A_114 = arith.constant 0 : i32
      %dma_start3A_115 = arith.constant 0 : i32
      %dma_start3A_116 = tpu.memref_slice %arg3[%arg0, %arg1, %add3A_109, %dma_start3A_114, %dma_start3A_115] : memref<2x16x160x2x128xi32, #tpu.memory_space<hbm>> -> memref<1x1x1x2x128xi32, #tpu.memory_space<hbm>>
      %dma_start3A_117 = tpu.memref_squeeze %dma_start3A_116 : memref<1x1x1x2x128xi32, #tpu.memory_space<hbm>> -> memref<2x128xi32, #tpu.memory_space<hbm>>
      tpu.enqueue_dma source(%dma_start3A_117 : memref<2x128xi32, #tpu.memory_space<hbm>>) target(%arg8 : memref<2x128xi32, #tpu.memory_space<vmem>>) target_semaphore(%arg15 : memref<!tpu.dma_semaphore, #tpu.memory_space<semaphore_mem>>)
      %add3A_118 = arith.constant 1 : i32
      %add3A_119 = arith.addi %mul3A_49, %add3A_118 : i32
      %add3A_120 = arith.constant 1 : i32
      %add3A_121 = arith.addi %add3A_119, %add3A_120 : i32
      %dma_wait3A_122 = arith.constant 0 : i32
      %dma_wait3A_123 = arith.constant 0 : i32
      %dma_wait3A_124 = tpu.memref_slice %arg3[%arg0, %arg1, %add3A_121, %dma_wait3A_122, %dma_wait3A_123] : memref<2x16x160x2x128xi32, #tpu.memory_space<hbm>> -> memref<1x1x1x2x128xi32, #tpu.memory_space<hbm>>
      %dma_wait3A_125 = tpu.memref_squeeze %dma_wait3A_124 : memref<1x1x1x2x128xi32, #tpu.memory_space<hbm>> -> memref<2x128xi32, #tpu.memory_space<hbm>>
      %dma_wait3A_126 = arith.constant 0 : i32
      %dma_wait3A_127 = arith.constant 0 : i32
      %dma_wait3A_128 = tpu.memref_slice %arg3[%arg0, %arg1, %add3A_121, %dma_wait3A_126, %dma_wait3A_127] : memref<2x16x160x2x128xi32, #tpu.memory_space<hbm>> -> memref<1x1x1x2x128xi32, #tpu.memory_space<hbm>>
      %dma_wait3A_129 = tpu.memref_squeeze %dma_wait3A_128 : memref<1x1x1x2x128xi32, #tpu.memory_space<hbm>> -> memref<2x128xi32, #tpu.memory_space<hbm>>
      tpu.wait_dma2 semaphore(%arg15 : memref<!tpu.dma_semaphore, #tpu.memory_space<semaphore_mem>>) src(%dma_wait3A_129 : memref<2x128xi32, #tpu.memory_space<hbm>>) dst(%arg8 : memref<2x128xi32, #tpu.memory_space<vmem>>)
      %dma_start3A_130 = arith.constant 0 : i32
      %dma_start3A_131 = arith.constant 0 : i32
      %dma_start3A_132 = tpu.memref_slice %arg8[%dma_start3A_130, %dma_start3A_131] : memref<2x128xi32, #tpu.memory_space<vmem>> -> memref<1x128xi32, #tpu.memory_space<vmem>>
      %dma_start3A_133 = tpu.memref_squeeze %dma_start3A_132 : memref<1x128xi32, #tpu.memory_space<vmem>> -> memref<128xi32, #tpu.memory_space<vmem>>
      %dma_start3A_134 = arith.constant 0 : i32
      %dma_start3A_135 = arith.constant 0 : i32
      %dma_start3A_136 = tpu.memref_slice %arg2[%dma_start3A_134, %dma_start3A_135] : memref<20000x128xf32, #tpu.memory_space<hbm>> -> memref<20000x128xf32, #tpu.memory_space<hbm>>
      tpu.enqueue_indirect_dma source(%dma_start3A_136 : memref<20000x128xf32, #tpu.memory_space<hbm>>) target(%arg10 : memref<128x128xf32, #tpu.memory_space<vmem>>) offsets(%dma_start3A_133 : memref<128xi32, #tpu.memory_space<vmem>>) semaphore(%arg13 : memref<!tpu.dma_semaphore, #tpu.memory_space<semaphore_mem>>)
      %get3A_137 = arith.constant 1 : i32
      %get3A_138 = arith.index_cast %get3A_137 : i32 to index
      %get3A_139 = arith.constant 0 : index
      %get3A_140 = tpu.vector_load %arg9[%get3A_138, %get3A_139] {strides = array<i32>} : memref<2x128xi32, #tpu.memory_space<vmem>>, vector<16xi32>,
      tpu.vector_store_idx %arg17[%get3A_140], %broadcast_in_dim3A_10 {add = true} : memref<10240xf32, #tpu.memory_space<vmem>>[vector<16xi32>], vector<16xf32>,
      %get3A_141 = arith.constant 1 : i32
      %get3A_142 = arith.index_cast %get3A_141 : i32 to index
      %get3A_143 = arith.constant 16 : index
      %get3A_144 = tpu.vector_load %arg9[%get3A_142, %get3A_143] {strides = array<i32>} : memref<2x128xi32, #tpu.memory_space<vmem>>, vector<16xi32>,
      tpu.vector_store_idx %arg17[%get3A_144], %broadcast_in_dim3A_10 {add = true} : memref<10240xf32, #tpu.memory_space<vmem>>[vector<16xi32>], vector<16xf32>,
      %get3A_145 = arith.constant 1 : i32
      %get3A_146 = arith.index_cast %get3A_145 : i32 to index
      %get3A_147 = arith.constant 32 : index
      %get3A_148 = tpu.vector_load %arg9[%get3A_146, %get3A_147] {strides = array<i32>} : memref<2x128xi32, #tpu.memory_space<vmem>>, vector<16xi32>,
      tpu.vector_store_idx %arg17[%get3A_148], %broadcast_in_dim3A_10 {add = true} : memref<10240xf32, #tpu.memory_space<vmem>>[vector<16xi32>], vector<16xf32>,
      %get3A_149 = arith.constant 1 : i32
      %get3A_150 = arith.index_cast %get3A_149 : i32 to index
      %get3A_151 = arith.constant 48 : index
      %get3A_152 = tpu.vector_load %arg9[%get3A_150, %get3A_151] {strides = array<i32>} : memref<2x128xi32, #tpu.memory_space<vmem>>, vector<16xi32>,
      tpu.vector_store_idx %arg17[%get3A_152], %broadcast_in_dim3A_10 {add = true} : memref<10240xf32, #tpu.memory_space<vmem>>[vector<16xi32>], vector<16xf32>,
      %get3A_153 = arith.constant 1 : i32
      %get3A_154 = arith.index_cast %get3A_153 : i32 to index
      %get3A_155 = arith.constant 64 : index
      %get3A_156 = tpu.vector_load %arg9[%get3A_154, %get3A_155] {strides = array<i32>} : memref<2x128xi32, #tpu.memory_space<vmem>>, vector<16xi32>,
      tpu.vector_store_idx %arg17[%get3A_156], %broadcast_in_dim3A_10 {add = true} : memref<10240xf32, #tpu.memory_space<vmem>>[vector<16xi32>], vector<16xf32>,
      %get3A_157 = arith.constant 1 : i32
      %get3A_158 = arith.index_cast %get3A_157 : i32 to index
      %get3A_159 = arith.constant 80 : index
      %get3A_160 = tpu.vector_load %arg9[%get3A_158, %get3A_159] {strides = array<i32>} : memref<2x128xi32, #tpu.memory_space<vmem>>, vector<16xi32>,
      tpu.vector_store_idx %arg17[%get3A_160], %broadcast_in_dim3A_10 {add = true} : memref<10240xf32, #tpu.memory_space<vmem>>[vector<16xi32>], vector<16xf32>,
      %get3A_161 = arith.constant 1 : i32
      %get3A_162 = arith.index_cast %get3A_161 : i32 to index
      %get3A_163 = arith.constant 96 : index
      %get3A_164 = tpu.vector_load %arg9[%get3A_162, %get3A_163] {strides = array<i32>} : memref<2x128xi32, #tpu.memory_space<vmem>>, vector<16xi32>,
      tpu.vector_store_idx %arg17[%get3A_164], %broadcast_in_dim3A_10 {add = true} : memref<10240xf32, #tpu.memory_space<vmem>>[vector<16xi32>], vector<16xf32>,
      %get3A_165 = arith.constant 1 : i32
      %get3A_166 = arith.index_cast %get3A_165 : i32 to index
      %get3A_167 = arith.constant 112 : index
      %get3A_168 = tpu.vector_load %arg9[%get3A_166, %get3A_167] {strides = array<i32>} : memref<2x128xi32, #tpu.memory_space<vmem>>, vector<16xi32>,
      tpu.vector_store_idx %arg17[%get3A_168], %broadcast_in_dim3A_10 {add = true} : memref<10240xf32, #tpu.memory_space<vmem>>[vector<16xi32>], vector<16xf32>,
      %dma_wait3A_169 = arith.constant 0 : i32
      %dma_wait3A_170 = arith.constant 0 : i32
      %dma_wait3A_171 = tpu.memref_slice %arg9[%dma_wait3A_169, %dma_wait3A_170] : memref<2x128xi32, #tpu.memory_space<vmem>> -> memref<1x128xi32, #tpu.memory_space<vmem>>
      %dma_wait3A_172 = tpu.memref_squeeze %dma_wait3A_171 : memref<1x128xi32, #tpu.memory_space<vmem>> -> memref<128xi32, #tpu.memory_space<vmem>>
      %dma_wait3A_173 = arith.constant 0 : i32
      %dma_wait3A_174 = arith.constant 0 : i32
      %dma_wait3A_175 = tpu.memref_slice %arg2[%dma_wait3A_173, %dma_wait3A_174] : memref<20000x128xf32, #tpu.memory_space<hbm>> -> memref<20000x128xf32, #tpu.memory_space<hbm>>
      tpu.wait_indirect_dma semaphore(%arg14 : memref<!tpu.dma_semaphore, #tpu.memory_space<semaphore_mem>>) src(%dma_wait3A_175 : memref<20000x128xf32, #tpu.memory_space<hbm>>) dst(%arg11 : memref<128x128xf32, #tpu.memory_space<vmem>>)
      %run_scoped3A_176 = arith.constant 1 : i32
      "tpu.region"() ({
        %run_scoped3A_187 = tpu.sem_alloc : memref<!tpu.dma_semaphore, #tpu.memory_space<semaphore_mem>>
        %dma_start3A_188 = arith.constant 0 : i32
        %dma_start3A_189 = tpu.memref_slice %arg9[%run_scoped3A_176, %dma_start3A_188] : memref<2x128xi32, #tpu.memory_space<vmem>> -> memref<1x128xi32, #tpu.memory_space<vmem>>
        %dma_start3A_190 = tpu.memref_squeeze %dma_start3A_189 : memref<1x128xi32, #tpu.memory_space<vmem>> -> memref<128xi32, #tpu.memory_space<vmem>>
        %dma_start3A_191 = arith.constant 0 : i32
        %dma_start3A_192 = arith.constant 0 : i32
        %dma_start3A_193 = tpu.memref_slice %arg12[%dma_start3A_191, %dma_start3A_192] : memref<10240x128xf32, #tpu.memory_space<vmem_shared>> -> memref<10240x128xf32, #tpu.memory_space<vmem_shared>>
        tpu.enqueue_indirect_dma source(%arg11 : memref<128x128xf32, #tpu.memory_space<vmem>>) target(%dma_start3A_193 : memref<10240x128xf32, #tpu.memory_space<vmem_shared>>) offsets(%dma_start3A_190 : memref<128xi32, #tpu.memory_space<vmem>>) semaphore(%run_scoped3A_187 : memref<!tpu.dma_semaphore, #tpu.memory_space<semaphore_mem>>) {add = true}
        %dma_wait3A_194 = arith.constant 0 : i32
        %dma_wait3A_195 = tpu.memref_slice %arg9[%run_scoped3A_176, %dma_wait3A_194] : memref<2x128xi32, #tpu.memory_space<vmem>> -> memref<1x128xi32, #tpu.memory_space<vmem>>
        %dma_wait3A_196 = tpu.memref_squeeze %dma_wait3A_195 : memref<1x128xi32, #tpu.memory_space<vmem>> -> memref<128xi32, #tpu.memory_space<vmem>>
        %dma_wait3A_197 = arith.constant 0 : i32
        %dma_wait3A_198 = arith.constant 0 : i32
        %dma_wait3A_199 = tpu.memref_slice %arg12[%dma_wait3A_197, %dma_wait3A_198] : memref<10240x128xf32, #tpu.memory_space<vmem_shared>> -> memref<10240x128xf32, #tpu.memory_space<vmem_shared>>
        tpu.wait_indirect_dma semaphore(%run_scoped3A_187 : memref<!tpu.dma_semaphore, #tpu.memory_space<semaphore_mem>>) src(%arg11 : memref<128x128xf32, #tpu.memory_space<vmem>>) dst(%dma_wait3A_199 : memref<10240x128xf32, #tpu.memory_space<vmem_shared>>)
        tpu.yield
      }) : () -> ()
      %add3A_177 = arith.constant 2 : i32
      %add3A_178 = arith.addi %add3A_119, %add3A_177 : i32
      %dma_start3A_179 = arith.constant 0 : i32
      %dma_start3A_180 = arith.constant 0 : i32
      %dma_start3A_181 = tpu.memref_slice %arg3[%arg0, %arg1, %add3A_178, %dma_start3A_179, %dma_start3A_180] : memref<2x16x160x2x128xi32, #tpu.memory_space<hbm>> -> memref<1x1x1x2x128xi32, #tpu.memory_space<hbm>>
      %dma_start3A_182 = tpu.memref_squeeze %dma_start3A_181 : memref<1x1x1x2x128xi32, #tpu.memory_space<hbm>> -> memref<2x128xi32, #tpu.memory_space<hbm>>
      %dma_start3A_183 = arith.constant 0 : i32
      %dma_start3A_184 = arith.constant 0 : i32
      %dma_start3A_185 = tpu.memref_slice %arg3[%arg0, %arg1, %add3A_178, %dma_start3A_183, %dma_start3A_184] : memref<2x16x160x2x128xi32, #tpu.memory_space<hbm>> -> memref<1x1x1x2x128xi32, #tpu.memory_space<hbm>>
      %dma_start3A_186 = tpu.memref_squeeze %dma_start3A_185 : memref<1x1x1x2x128xi32, #tpu.memory_space<hbm>> -> memref<2x128xi32, #tpu.memory_space<hbm>>
      tpu.enqueue_dma source(%dma_start3A_186 : memref<2x128xi32, #tpu.memory_space<hbm>>) target(%arg9 : memref<2x128xi32, #tpu.memory_space<vmem>>) target_semaphore(%arg16 : memref<!tpu.dma_semaphore, #tpu.memory_space<semaphore_mem>>)
    }
    %scan3A_30 = arith.constant 79 : i32
    %dma_wait3A = arith.constant 0 : i32
    %dma_wait3A_31 = arith.constant 0 : i32
    %dma_wait3A_32 = tpu.memref_slice %arg8[%dma_wait3A, %dma_wait3A_31] : memref<2x128xi32, #tpu.memory_space<vmem>> -> memref<1x128xi32, #tpu.memory_space<vmem>>
    %dma_wait3A_33 = tpu.memref_squeeze %dma_wait3A_32 : memref<1x128xi32, #tpu.memory_space<vmem>> -> memref<128xi32, #tpu.memory_space<vmem>>
    %dma_wait3A_34 = arith.constant 0 : i32
    %dma_wait3A_35 = arith.constant 0 : i32
    %dma_wait3A_36 = tpu.memref_slice %arg2[%dma_wait3A_34, %dma_wait3A_35] : memref<20000x128xf32, #tpu.memory_space<hbm>> -> memref<20000x128xf32, #tpu.memory_space<hbm>>
    tpu.wait_indirect_dma semaphore(%arg13 : memref<!tpu.dma_semaphore, #tpu.memory_space<semaphore_mem>>) src(%dma_wait3A_36 : memref<20000x128xf32, #tpu.memory_space<hbm>>) dst(%arg10 : memref<128x128xf32, #tpu.memory_space<vmem>>)
    %dma_wait3A_37 = arith.constant 159 : i32
    %dma_wait3A_38 = arith.constant 0 : i32
    %dma_wait3A_39 = arith.constant 0 : i32
    %dma_wait3A_40 = tpu.memref_slice %arg3[%arg0, %arg1, %dma_wait3A_37, %dma_wait3A_38, %dma_wait3A_39] : memref<2x16x160x2x128xi32, #tpu.memory_space<hbm>> -> memref<1x1x1x2x128xi32, #tpu.memory_space<hbm>>
    %dma_wait3A_41 = tpu.memref_squeeze %dma_wait3A_40 : memref<1x1x1x2x128xi32, #tpu.memory_space<hbm>> -> memref<2x128xi32, #tpu.memory_space<hbm>>
    %dma_wait3A_42 = arith.constant 0 : i32
    %dma_wait3A_43 = arith.constant 0 : i32
    %dma_wait3A_44 = tpu.memref_slice %arg3[%arg0, %arg1, %dma_wait3A_37, %dma_wait3A_42, %dma_wait3A_43] : memref<2x16x160x2x128xi32, #tpu.memory_space<hbm>> -> memref<1x1x1x2x128xi32, #tpu.memory_space<hbm>>
    %dma_wait3A_45 = tpu.memref_squeeze %dma_wait3A_44 : memref<1x1x1x2x128xi32, #tpu.memory_space<hbm>> -> memref<2x128xi32, #tpu.memory_space<hbm>>
    tpu.wait_dma2 semaphore(%arg16 : memref<!tpu.dma_semaphore, #tpu.memory_space<semaphore_mem>>) src(%dma_wait3A_45 : memref<2x128xi32, #tpu.memory_space<hbm>>) dst(%arg9 : memref<2x128xi32, #tpu.memory_space<vmem>>)
    %barrier3A_46 = arith.constant 0 : index
    tpu.barrier barrier_id(%barrier3A_46)
    "tpu.region"() ({
      %run_scoped3A_47 = tpu.sem_alloc : memref<!tpu.dma_semaphore, #tpu.memory_space<semaphore_mem>>
      %dma_start3A_48 = arith.constant 0 : i32
      %dma_start3A_49 = tpu.memref_slice %arg6[%arg0, %mul3A_0, %dma_start3A_48] : memref<2x10240x128xf32, #tpu.memory_space<hbm>> -> memref<1x640x128xf32, #tpu.memory_space<hbm>>
      %dma_start3A_50 = tpu.memref_squeeze %dma_start3A_49 : memref<1x640x128xf32, #tpu.memory_space<hbm>> -> memref<640x128xf32, #tpu.memory_space<hbm>>
      %dma_start3A_51 = arith.constant 0 : i32
      %dma_start3A_52 = tpu.memref_slice %arg12[%mul3A_0, %dma_start3A_51] : memref<10240x128xf32, #tpu.memory_space<vmem_shared>> -> memref<640x128xf32, #tpu.memory_space<vmem_shared>>
      tpu.enqueue_dma source(%dma_start3A_52 : memref<640x128xf32, #tpu.memory_space<vmem_shared>>) target(%dma_start3A_50 : memref<640x128xf32, #tpu.memory_space<hbm>>) target_semaphore(%run_scoped3A_47 : memref<!tpu.dma_semaphore, #tpu.memory_space<semaphore_mem>>)
      %dma_wait3A_53 = arith.constant 0 : i32
      %dma_wait3A_54 = tpu.memref_slice %arg6[%arg0, %mul3A_0, %dma_wait3A_53] : memref<2x10240x128xf32, #tpu.memory_space<hbm>> -> memref<1x640x128xf32, #tpu.memory_space<hbm>>
      %dma_wait3A_55 = tpu.memref_squeeze %dma_wait3A_54 : memref<1x640x128xf32, #tpu.memory_space<hbm>> -> memref<640x128xf32, #tpu.memory_space<hbm>>
      %dma_wait3A_56 = arith.constant 0 : i32
      %dma_wait3A_57 = tpu.memref_slice %arg12[%mul3A_0, %dma_wait3A_56] : memref<10240x128xf32, #tpu.memory_space<vmem_shared>> -> memref<640x128xf32, #tpu.memory_space<vmem_shared>>
      tpu.wait_dma2 semaphore(%run_scoped3A_47 : memref<!tpu.dma_semaphore, #tpu.memory_space<semaphore_mem>>) src(%dma_wait3A_57 : memref<640x128xf32, #tpu.memory_space<vmem_shared>>) dst(%dma_wait3A_55 : memref<640x128xf32, #tpu.memory_space<hbm>>)
      tpu.yield
    }) : () -> ()
    "tpu.region"() ({
      %run_scoped3A_47 = tpu.sem_alloc : memref<!tpu.dma_semaphore, #tpu.memory_space<semaphore_mem>>
      %dma_start3A_48 = arith.constant 0 : i32
      %dma_start3A_49 = tpu.memref_slice %arg7[%arg0, %arg1, %dma_start3A_48] : memref<2x16x10240xf32, #tpu.memory_space<hbm>> -> memref<1x1x10240xf32, #tpu.memory_space<hbm>>
      %dma_start3A_50 = tpu.memref_squeeze %dma_start3A_49 : memref<1x1x10240xf32, #tpu.memory_space<hbm>> -> memref<10240xf32, #tpu.memory_space<hbm>>
      %dma_start3A_51 = arith.constant 0 : i32
      %dma_start3A_52 = tpu.memref_slice %arg7[%arg0, %arg1, %dma_start3A_51] : memref<2x16x10240xf32, #tpu.memory_space<hbm>> -> memref<1x1x10240xf32, #tpu.memory_space<hbm>>
      %dma_start3A_53 = tpu.memref_squeeze %dma_start3A_52 : memref<1x1x10240xf32, #tpu.memory_space<hbm>> -> memref<10240xf32, #tpu.memory_space<hbm>>
      tpu.enqueue_dma source(%arg17 : memref<10240xf32, #tpu.memory_space<vmem>>) target(%dma_start3A_53 : memref<10240xf32, #tpu.memory_space<hbm>>) target_semaphore(%run_scoped3A_47 : memref<!tpu.dma_semaphore, #tpu.memory_space<semaphore_mem>>)
      %dma_wait3A_54 = arith.constant 0 : i32
      %dma_wait3A_55 = tpu.memref_slice %arg7[%arg0, %arg1, %dma_wait3A_54] : memref<2x16x10240xf32, #tpu.memory_space<hbm>> -> memref<1x1x10240xf32, #tpu.memory_space<hbm>>
      %dma_wait3A_56 = tpu.memref_squeeze %dma_wait3A_55 : memref<1x1x10240xf32, #tpu.memory_space<hbm>> -> memref<10240xf32, #tpu.memory_space<hbm>>
      %dma_wait3A_57 = arith.constant 0 : i32
      %dma_wait3A_58 = tpu.memref_slice %arg7[%arg0, %arg1, %dma_wait3A_57] : memref<2x16x10240xf32, #tpu.memory_space<hbm>> -> memref<1x1x10240xf32, #tpu.memory_space<hbm>>
      %dma_wait3A_59 = tpu.memref_squeeze %dma_wait3A_58 : memref<1x1x10240xf32, #tpu.memory_space<hbm>> -> memref<10240xf32, #tpu.memory_space<hbm>>
      tpu.wait_dma2 semaphore(%run_scoped3A_47 : memref<!tpu.dma_semaphore, #tpu.memory_space<semaphore_mem>>) src(%arg17 : memref<10240xf32, #tpu.memory_space<vmem>>) dst(%dma_wait3A_59 : memref<10240xf32, #tpu.memory_space<hbm>>)
      tpu.yield
    }) : () -> ()
    return
  }
}

module attributes {stable_mosaic.version = 14 : i64} {
  func.func @_proj_body(%arg0: i32, %arg1: memref<1000x128xf32, #tpu.memory_space<vmem>>, %arg2: memref<128x256xf32, #tpu.memory_space<vmem>>, %arg3: memref<1x256xf32, #tpu.memory_space<vmem>>, %arg4: memref<2x1000x128xf32, #tpu.memory_space<vmem>>) attributes {dimension_semantics = [#tpu.dimension_semantics<arbitrary>], iteration_bounds = array<i64: 10>, scalar_prefetch = 0 : i64, scratch_operands = 0 : i64, tpu.core_type = #tpu.core_type<tc>, window_params = [{transform_indices = @transform_0, window_bounds = array<i64: 1000, 128>}, {pipeline_mode = #tpu.pipeline_mode<synchronous>, transform_indices = @transform_1, window_bounds = array<i64: 128, 256>}, {pipeline_mode = #tpu.pipeline_mode<synchronous>, transform_indices = @transform_2, window_bounds = array<i64: 1, 256>}, {transform_indices = @transform_3, window_bounds = array<i64: 2, 1000, 128>}]} {
    %get3A = arith.constant 0 : index
    %get3A_0 = arith.constant 0 : index
    %get3A_1 = vector.load %arg1[%get3A, %get3A_0] : memref<1000x128xf32, #tpu.memory_space<vmem>>, vector<1000x128xf32>
    %get3A_2 = arith.constant 0 : index
    %get3A_3 = arith.constant 0 : index
    %get3A_4 = vector.load %arg2[%get3A_2, %get3A_3] : memref<128x256xf32, #tpu.memory_space<vmem>>, vector<128x256xf32>
    %dot_general3A = arith.constant dense<0.000000e+00> : vector<1000x256xf32>
    %dot_general3A_5 = tpu.matmul %get3A_1, %get3A_4, %dot_general3A {dimension_numbers = #tpu.dot_dimension_numbers<[1], [0], [0], [1], [0, 0, 1, 1], [], []>, transpose_lhs_hint = false} : vector<1000x128xf32>, vector<128x256xf32>, vector<1000x256xf32> -> vector<1000x256xf32>
    %get3A_6 = arith.constant 0 : index
    %get3A_7 = arith.constant 0 : index
    %get3A_8 = vector.load %arg3[%get3A_6, %get3A_7] : memref<1x256xf32, #tpu.memory_space<vmem>>, vector<1x256xf32>
    %add3A = vector.broadcast %get3A_8 : vector<1x256xf32> to vector<1000x256xf32>
    %add3A_9 = arith.addf %dot_general3A_5, %add3A : vector<1000x256xf32>
    %slice3A = vector.extract_strided_slice %add3A_9 {offsets = [0, 0], sizes = [1000, 128], strides = [1, 1]} : vector<1000x256xf32> to vector<1000x128xf32>
    %slice3A_10 = vector.extract_strided_slice %add3A_9 {offsets = [0, 128], sizes = [1000, 128], strides = [1, 1]} : vector<1000x256xf32> to vector<1000x128xf32>
    %stack3A = vector.shape_cast %slice3A : vector<1000x128xf32> to vector<1x1000x128xf32>
    %stack3A_11 = vector.shape_cast %slice3A_10 : vector<1000x128xf32> to vector<1x1000x128xf32>
    %stack3A_12 = tpu.concatenate %stack3A, %stack3A_11 in 0 : vector<1x1000x128xf32>, vector<1x1000x128xf32> -> vector<2x1000x128xf32>
    %swap3A = arith.constant 0 : index
    %swap3A_13 = arith.constant 0 : index
    %swap3A_14 = arith.constant 0 : index
    %swap3A_15 = vector.load %arg4[%swap3A, %swap3A_13, %swap3A_14] : memref<2x1000x128xf32, #tpu.memory_space<vmem>>, vector<2x1000x128xf32>
    tpu.vector_store %arg4[%swap3A, %swap3A_13, %swap3A_14], %stack3A_12 {strides = array<i32>} : memref<2x1000x128xf32, #tpu.memory_space<vmem>>, vector<2x1000x128xf32>,
    return
  }
  func.func @transform_0(%arg0: i32) -> (i32, i32) {
    %c0_i32 = arith.constant 0 : i32
    %c0_i32_0 = arith.constant 0 : i32
    return %arg0, %c0_i32 : i32, i32
  }
  func.func @transform_1(%arg0: i32) -> (i32, i32) {
    %c0_i32 = arith.constant 0 : i32
    %c0_i32_0 = arith.constant 0 : i32
    %c0_i32_1 = arith.constant 0 : i32
    return %c0_i32, %c0_i32_0 : i32, i32
  }
  func.func @transform_2(%arg0: i32) -> (i32, i32) {
    %c0_i32 = arith.constant 0 : i32
    %c0_i32_0 = arith.constant 0 : i32
    %c0_i32_1 = arith.constant 0 : i32
    return %c0_i32, %c0_i32_0 : i32, i32
  }
  func.func @transform_3(%arg0: i32) -> (i32, i32, i32) {
    %c0_i32 = arith.constant 0 : i32
    %c0_i32_0 = arith.constant 0 : i32
    %c0_i32_1 = arith.constant 0 : i32
    return %c0_i32, %arg0, %c0_i32_0 : i32, i32, i32
  }
}

module attributes {stable_mosaic.version = 14 : i64} {
  func.func @_layer_body(%arg0: i32, %arg1: memref<2x1000x128xf32, #tpu.memory_space<vmem>>, %arg2: memref<2x1000x128xf32, #tpu.memory_space<vmem>>, %arg3: memref<1000x16xf32, #tpu.memory_space<vmem>>, %arg4: memref<256x256xf32, #tpu.memory_space<vmem>>, %arg5: memref<1x256xf32, #tpu.memory_space<vmem>>, %arg6: memref<256x256xf32, #tpu.memory_space<vmem>>, %arg7: memref<1x256xf32, #tpu.memory_space<vmem>>, %arg8: memref<1x256xf32, #tpu.memory_space<vmem>>, %arg9: memref<1x256xf32, #tpu.memory_space<vmem>>, %arg10: memref<1x256xf32, #tpu.memory_space<vmem>>, %arg11: memref<1x256xf32, #tpu.memory_space<vmem>>, %arg12: memref<2x1000x128xf32, #tpu.memory_space<vmem>>) attributes {dimension_semantics = [#tpu.dimension_semantics<arbitrary>], iteration_bounds = array<i64: 10>, scalar_prefetch = 0 : i64, scratch_operands = 0 : i64, tpu.core_type = #tpu.core_type<tc>, window_params = [{transform_indices = @transform_0, window_bounds = array<i64: 2, 1000, 128>}, {transform_indices = @transform_1, window_bounds = array<i64: 2, 1000, 128>}, {transform_indices = @transform_2, window_bounds = array<i64: 1000, 16>}, {pipeline_mode = #tpu.pipeline_mode<synchronous>, transform_indices = @transform_3, window_bounds = array<i64: 256, 256>}, {pipeline_mode = #tpu.pipeline_mode<synchronous>, transform_indices = @transform_4, window_bounds = array<i64: 1, 256>}, {pipeline_mode = #tpu.pipeline_mode<synchronous>, transform_indices = @transform_5, window_bounds = array<i64: 256, 256>}, {pipeline_mode = #tpu.pipeline_mode<synchronous>, transform_indices = @transform_6, window_bounds = array<i64: 1, 256>}, {pipeline_mode = #tpu.pipeline_mode<synchronous>, transform_indices = @transform_7, window_bounds = array<i64: 1, 256>}, {pipeline_mode = #tpu.pipeline_mode<synchronous>, transform_indices = @transform_8, window_bounds = array<i64: 1, 256>}, {pipeline_mode = #tpu.pipeline_mode<synchronous>, transform_indices = @transform_9, window_bounds = array<i64: 1, 256>}, {pipeline_mode = #tpu.pipeline_mode<synchronous>, transform_indices = @transform_10, window_bounds = array<i64: 1, 256>}, {transform_indices = @transform_11, window_bounds = array<i64: 2, 1000, 128>}]} {
    %get3A = arith.constant 0 : index
    %get3A_0 = arith.constant 0 : index
    %get3A_1 = arith.constant 0 : index
    %get3A_2 = vector.load %arg1[%get3A, %get3A_0, %get3A_1] : memref<2x1000x128xf32, #tpu.memory_space<vmem>>, vector<2x1000x128xf32>
    %slice3A = vector.extract_strided_slice %get3A_2 {offsets = [0, 0, 0], sizes = [1, 1000, 128], strides = [1, 1, 1]} : vector<2x1000x128xf32> to vector<1x1000x128xf32>
    %squeeze3A = vector.shape_cast %slice3A : vector<1x1000x128xf32> to vector<1000x128xf32>
    %slice3A_3 = vector.extract_strided_slice %get3A_2 {offsets = [1, 0, 0], sizes = [1, 1000, 128], strides = [1, 1, 1]} : vector<2x1000x128xf32> to vector<1x1000x128xf32>
    %squeeze3A_4 = vector.shape_cast %slice3A_3 : vector<1x1000x128xf32> to vector<1000x128xf32>
    %concatenate3A = tpu.concatenate %squeeze3A, %squeeze3A_4 in 1 : vector<1000x128xf32>, vector<1000x128xf32> -> vector<1000x256xf32>
    %get3A_5 = arith.constant 0 : index
    %get3A_6 = arith.constant 0 : index
    %get3A_7 = arith.constant 0 : index
    %get3A_8 = vector.load %arg2[%get3A_5, %get3A_6, %get3A_7] : memref<2x1000x128xf32, #tpu.memory_space<vmem>>, vector<2x1000x128xf32>
    %slice3A_9 = vector.extract_strided_slice %get3A_8 {offsets = [0, 0, 0], sizes = [1, 1000, 128], strides = [1, 1, 1]} : vector<2x1000x128xf32> to vector<1x1000x128xf32>
    %squeeze3A_10 = vector.shape_cast %slice3A_9 : vector<1x1000x128xf32> to vector<1000x128xf32>
    %slice3A_11 = vector.extract_strided_slice %get3A_8 {offsets = [1, 0, 0], sizes = [1, 1000, 128], strides = [1, 1, 1]} : vector<2x1000x128xf32> to vector<1x1000x128xf32>
    %squeeze3A_12 = vector.shape_cast %slice3A_11 : vector<1x1000x128xf32> to vector<1000x128xf32>
    %concatenate3A_13 = tpu.concatenate %squeeze3A_10, %squeeze3A_12 in 1 : vector<1000x128xf32>, vector<1000x128xf32> -> vector<1000x256xf32>
    %get3A_14 = arith.constant 0 : index
    %get3A_15 = arith.constant 0 : index
    %get3A_16 = vector.load %arg3[%get3A_14, %get3A_15] : memref<1000x16xf32, #tpu.memory_space<vmem>>, vector<1000x16xf32>
    %reduce_sum3A = arith.constant dense<0.000000e+00> : vector<1000xf32>
    %reduce_sum3A_17 = vector.multi_reduction <add>, %get3A_16, %reduce_sum3A [1] : vector<1000x16xf32> to vector<1000xf32>
    %broadcast_in_dim3A = vector.shape_cast %reduce_sum3A_17 : vector<1000xf32> to vector<1000x1xf32>
    %max3A = arith.constant 1.000000e+00 : f32
    %max3A_18 = vector.broadcast %max3A : f32 to vector<1000x1xf32>
    %max3A_19 = arith.maximumf %broadcast_in_dim3A, %max3A_18 : vector<1000x1xf32>
    %div3A = vector.broadcast %max3A_19 : vector<1000x1xf32> to vector<1000x256xf32>
    %div3A_20 = arith.divf %concatenate3A_13, %div3A : vector<1000x256xf32>
    %get3A_21 = arith.constant 0 : index
    %get3A_22 = arith.constant 0 : index
    %get3A_23 = vector.load %arg4[%get3A_21, %get3A_22] : memref<256x256xf32, #tpu.memory_space<vmem>>, vector<256x256xf32>
    %dot_general3A = arith.constant dense<0.000000e+00> : vector<1000x256xf32>
    %dot_general3A_24 = tpu.matmul %concatenate3A, %get3A_23, %dot_general3A {dimension_numbers = #tpu.dot_dimension_numbers<[1], [0], [0], [1], [0, 0, 1, 1], [], []>, transpose_lhs_hint = false} : vector<1000x256xf32>, vector<256x256xf32>, vector<1000x256xf32> -> vector<1000x256xf32>
    %get3A_25 = arith.constant 0 : index
    %get3A_26 = arith.constant 0 : index
    %get3A_27 = vector.load %arg5[%get3A_25, %get3A_26] : memref<1x256xf32, #tpu.memory_space<vmem>>, vector<1x256xf32>
    %add3A = vector.broadcast %get3A_27 : vector<1x256xf32> to vector<1000x256xf32>
    %add3A_28 = arith.addf %dot_general3A_24, %add3A : vector<1000x256xf32>
    %get3A_29 = arith.constant 0 : index
    %get3A_30 = arith.constant 0 : index
    %get3A_31 = vector.load %arg6[%get3A_29, %get3A_30] : memref<256x256xf32, #tpu.memory_space<vmem>>, vector<256x256xf32>
    %dot_general3A_32 = arith.constant dense<0.000000e+00> : vector<1000x256xf32>
    %dot_general3A_33 = tpu.matmul %div3A_20, %get3A_31, %dot_general3A_32 {dimension_numbers = #tpu.dot_dimension_numbers<[1], [0], [0], [1], [0, 0, 1, 1], [], []>, transpose_lhs_hint = false} : vector<1000x256xf32>, vector<256x256xf32>, vector<1000x256xf32> -> vector<1000x256xf32>
    %add3A_34 = arith.addf %add3A_28, %dot_general3A_33 : vector<1000x256xf32>
    %get3A_35 = arith.constant 0 : index
    %get3A_36 = arith.constant 0 : index
    %get3A_37 = vector.load %arg7[%get3A_35, %get3A_36] : memref<1x256xf32, #tpu.memory_space<vmem>>, vector<1x256xf32>
    %add3A_38 = vector.broadcast %get3A_37 : vector<1x256xf32> to vector<1000x256xf32>
    %add3A_39 = arith.addf %add3A_34, %add3A_38 : vector<1000x256xf32>
    %get3A_40 = arith.constant 0 : index
    %get3A_41 = arith.constant 0 : index
    %get3A_42 = vector.load %arg10[%get3A_40, %get3A_41] : memref<1x256xf32, #tpu.memory_space<vmem>>, vector<1x256xf32>
    %sub3A = vector.broadcast %get3A_42 : vector<1x256xf32> to vector<1000x256xf32>
    %sub3A_43 = arith.subf %add3A_39, %sub3A : vector<1000x256xf32>
    %get3A_44 = arith.constant 0 : index
    %get3A_45 = arith.constant 0 : index
    %get3A_46 = vector.load %arg8[%get3A_44, %get3A_45] : memref<1x256xf32, #tpu.memory_space<vmem>>, vector<1x256xf32>
    %get3A_47 = arith.constant 0 : index
    %get3A_48 = arith.constant 0 : index
    %get3A_49 = vector.load %arg11[%get3A_47, %get3A_48] : memref<1x256xf32, #tpu.memory_space<vmem>>, vector<1x256xf32>
    %add3A_50 = arith.constant 9.99999974E-6 : f32
    %add3A_51 = vector.broadcast %add3A_50 : f32 to vector<1x256xf32>
    %add3A_52 = arith.addf %get3A_49, %add3A_51 : vector<1x256xf32>
    %rsqrt3A = math.rsqrt %add3A_52 : vector<1x256xf32>
    %mul3A = arith.mulf %get3A_46, %rsqrt3A : vector<1x256xf32>
    %mul3A_53 = vector.broadcast %mul3A : vector<1x256xf32> to vector<1000x256xf32>
    %mul3A_54 = arith.mulf %sub3A_43, %mul3A_53 : vector<1000x256xf32>
    %get3A_55 = arith.constant 0 : index
    %get3A_56 = arith.constant 0 : index
    %get3A_57 = vector.load %arg9[%get3A_55, %get3A_56] : memref<1x256xf32, #tpu.memory_space<vmem>>, vector<1x256xf32>
    %add3A_58 = vector.broadcast %get3A_57 : vector<1x256xf32> to vector<1000x256xf32>
    %add3A_59 = arith.addf %mul3A_54, %add3A_58 : vector<1000x256xf32>
    %max3A_60 = arith.constant 0.000000e+00 : f32
    %max3A_61 = vector.broadcast %max3A_60 : f32 to vector<1000x256xf32>
    %max3A_62 = arith.maximumf %add3A_59, %max3A_61 : vector<1000x256xf32>
    %add3A_63 = arith.addf %concatenate3A, %max3A_62 : vector<1000x256xf32>
    %slice3A_64 = vector.extract_strided_slice %add3A_63 {offsets = [0, 0], sizes = [1000, 128], strides = [1, 1]} : vector<1000x256xf32> to vector<1000x128xf32>
    %slice3A_65 = vector.extract_strided_slice %add3A_63 {offsets = [0, 128], sizes = [1000, 128], strides = [1, 1]} : vector<1000x256xf32> to vector<1000x128xf32>
    %stack3A = vector.shape_cast %slice3A_64 : vector<1000x128xf32> to vector<1x1000x128xf32>
    %stack3A_66 = vector.shape_cast %slice3A_65 : vector<1000x128xf32> to vector<1x1000x128xf32>
    %stack3A_67 = tpu.concatenate %stack3A, %stack3A_66 in 0 : vector<1x1000x128xf32>, vector<1x1000x128xf32> -> vector<2x1000x128xf32>
    %swap3A = arith.constant 0 : index
    %swap3A_68 = arith.constant 0 : index
    %swap3A_69 = arith.constant 0 : index
    %swap3A_70 = vector.load %arg12[%swap3A, %swap3A_68, %swap3A_69] : memref<2x1000x128xf32, #tpu.memory_space<vmem>>, vector<2x1000x128xf32>
    tpu.vector_store %arg12[%swap3A, %swap3A_68, %swap3A_69], %stack3A_67 {strides = array<i32>} : memref<2x1000x128xf32, #tpu.memory_space<vmem>>, vector<2x1000x128xf32>,
    return
  }
  func.func @transform_0(%arg0: i32) -> (i32, i32, i32) {
    %c0_i32 = arith.constant 0 : i32
    %c0_i32_0 = arith.constant 0 : i32
    %c0_i32_1 = arith.constant 0 : i32
    return %c0_i32, %arg0, %c0_i32_0 : i32, i32, i32
  }
  func.func @transform_1(%arg0: i32) -> (i32, i32, i32) {
    %c0_i32 = arith.constant 0 : i32
    %c0_i32_0 = arith.constant 0 : i32
    %c0_i32_1 = arith.constant 0 : i32
    return %c0_i32, %arg0, %c0_i32_0 : i32, i32, i32
  }
  func.func @transform_2(%arg0: i32) -> (i32, i32) {
    %c0_i32 = arith.constant 0 : i32
    %c0_i32_0 = arith.constant 0 : i32
    return %arg0, %c0_i32 : i32, i32
  }
  func.func @transform_3(%arg0: i32) -> (i32, i32) {
    %c0_i32 = arith.constant 0 : i32
    %c0_i32_0 = arith.constant 0 : i32
    %c0_i32_1 = arith.constant 0 : i32
    return %c0_i32, %c0_i32_0 : i32, i32
  }
  func.func @transform_4(%arg0: i32) -> (i32, i32) {
    %c0_i32 = arith.constant 0 : i32
    %c0_i32_0 = arith.constant 0 : i32
    %c0_i32_1 = arith.constant 0 : i32
    return %c0_i32, %c0_i32_0 : i32, i32
  }
  func.func @transform_5(%arg0: i32) -> (i32, i32) {
    %c0_i32 = arith.constant 0 : i32
    %c0_i32_0 = arith.constant 0 : i32
    %c0_i32_1 = arith.constant 0 : i32
    return %c0_i32, %c0_i32_0 : i32, i32
  }
  func.func @transform_6(%arg0: i32) -> (i32, i32) {
    %c0_i32 = arith.constant 0 : i32
    %c0_i32_0 = arith.constant 0 : i32
    %c0_i32_1 = arith.constant 0 : i32
    return %c0_i32, %c0_i32_0 : i32, i32
  }
  func.func @transform_7(%arg0: i32) -> (i32, i32) {
    %c0_i32 = arith.constant 0 : i32
    %c0_i32_0 = arith.constant 0 : i32
    %c0_i32_1 = arith.constant 0 : i32
    return %c0_i32, %c0_i32_0 : i32, i32
  }
  func.func @transform_8(%arg0: i32) -> (i32, i32) {
    %c0_i32 = arith.constant 0 : i32
    %c0_i32_0 = arith.constant 0 : i32
    %c0_i32_1 = arith.constant 0 : i32
    return %c0_i32, %c0_i32_0 : i32, i32
  }
  func.func @transform_9(%arg0: i32) -> (i32, i32) {
    %c0_i32 = arith.constant 0 : i32
    %c0_i32_0 = arith.constant 0 : i32
    %c0_i32_1 = arith.constant 0 : i32
    return %c0_i32, %c0_i32_0 : i32, i32
  }
  func.func @transform_10(%arg0: i32) -> (i32, i32) {
    %c0_i32 = arith.constant 0 : i32
    %c0_i32_0 = arith.constant 0 : i32
    %c0_i32_1 = arith.constant 0 : i32
    return %c0_i32, %c0_i32_0 : i32, i32
  }
  func.func @transform_11(%arg0: i32) -> (i32, i32, i32) {
    %c0_i32 = arith.constant 0 : i32
    %c0_i32_0 = arith.constant 0 : i32
    %c0_i32_1 = arith.constant 0 : i32
    return %c0_i32, %arg0, %c0_i32_0 : i32, i32, i32
  }
}

module attributes {stable_mosaic.version = 14 : i64} {
  func.func @_final_body(%arg0: i32, %arg1: memref<2x1000x128xf32, #tpu.memory_space<vmem>>, %arg2: memref<2x1000x128xf32, #tpu.memory_space<vmem>>, %arg3: memref<1000x16xf32, #tpu.memory_space<vmem>>, %arg4: memref<256x256xf32, #tpu.memory_space<vmem>>, %arg5: memref<1x256xf32, #tpu.memory_space<vmem>>, %arg6: memref<256x256xf32, #tpu.memory_space<vmem>>, %arg7: memref<1x256xf32, #tpu.memory_space<vmem>>, %arg8: memref<1x256xf32, #tpu.memory_space<vmem>>, %arg9: memref<1x256xf32, #tpu.memory_space<vmem>>, %arg10: memref<1x256xf32, #tpu.memory_space<vmem>>, %arg11: memref<1x256xf32, #tpu.memory_space<vmem>>, %arg12: memref<256x768xf32, #tpu.memory_space<vmem>>, %arg13: memref<1x768xf32, #tpu.memory_space<vmem>>, %arg14: memref<256x16xf32, #tpu.memory_space<vmem>>, %arg15: memref<1x16xf32, #tpu.memory_space<vmem>>, %arg16: memref<1000x16xf32, #tpu.memory_space<vmem>>) attributes {dimension_semantics = [#tpu.dimension_semantics<arbitrary>], iteration_bounds = array<i64: 10>, scalar_prefetch = 0 : i64, scratch_operands = 0 : i64, tpu.core_type = #tpu.core_type<tc>, window_params = [{transform_indices = @transform_0, window_bounds = array<i64: 2, 1000, 128>}, {transform_indices = @transform_1, window_bounds = array<i64: 2, 1000, 128>}, {transform_indices = @transform_2, window_bounds = array<i64: 1000, 16>}, {pipeline_mode = #tpu.pipeline_mode<synchronous>, transform_indices = @transform_3, window_bounds = array<i64: 256, 256>}, {pipeline_mode = #tpu.pipeline_mode<synchronous>, transform_indices = @transform_4, window_bounds = array<i64: 1, 256>}, {pipeline_mode = #tpu.pipeline_mode<synchronous>, transform_indices = @transform_5, window_bounds = array<i64: 256, 256>}, {pipeline_mode = #tpu.pipeline_mode<synchronous>, transform_indices = @transform_6, window_bounds = array<i64: 1, 256>}, {pipeline_mode = #tpu.pipeline_mode<synchronous>, transform_indices = @transform_7, window_bounds = array<i64: 1, 256>}, {pipeline_mode = #tpu.pipeline_mode<synchronous>, transform_indices = @transform_8, window_bounds = array<i64: 1, 256>}, {pipeline_mode = #tpu.pipeline_mode<synchronous>, transform_indices = @transform_9, window_bounds = array<i64: 1, 256>}, {pipeline_mode = #tpu.pipeline_mode<synchronous>, transform_indices = @transform_10, window_bounds = array<i64: 1, 256>}, {pipeline_mode = #tpu.pipeline_mode<synchronous>, transform_indices = @transform_11, window_bounds = array<i64: 256, 768>}, {pipeline_mode = #tpu.pipeline_mode<synchronous>, transform_indices = @transform_12, window_bounds = array<i64: 1, 768>}, {pipeline_mode = #tpu.pipeline_mode<synchronous>, transform_indices = @transform_13, window_bounds = array<i64: 256, 16>}, {pipeline_mode = #tpu.pipeline_mode<synchronous>, transform_indices = @transform_14, window_bounds = array<i64: 1, 16>}, {transform_indices = @transform_15, window_bounds = array<i64: 1000, 16>}]} {
    %get3A = arith.constant 0 : index
    %get3A_0 = arith.constant 0 : index
    %get3A_1 = arith.constant 0 : index
    %get3A_2 = vector.load %arg1[%get3A, %get3A_0, %get3A_1] : memref<2x1000x128xf32, #tpu.memory_space<vmem>>, vector<2x1000x128xf32>
    %slice3A = vector.extract_strided_slice %get3A_2 {offsets = [0, 0, 0], sizes = [1, 1000, 128], strides = [1, 1, 1]} : vector<2x1000x128xf32> to vector<1x1000x128xf32>
    %squeeze3A = vector.shape_cast %slice3A : vector<1x1000x128xf32> to vector<1000x128xf32>
    %slice3A_3 = vector.extract_strided_slice %get3A_2 {offsets = [1, 0, 0], sizes = [1, 1000, 128], strides = [1, 1, 1]} : vector<2x1000x128xf32> to vector<1x1000x128xf32>
    %squeeze3A_4 = vector.shape_cast %slice3A_3 : vector<1x1000x128xf32> to vector<1000x128xf32>
    %concatenate3A = tpu.concatenate %squeeze3A, %squeeze3A_4 in 1 : vector<1000x128xf32>, vector<1000x128xf32> -> vector<1000x256xf32>
    %get3A_5 = arith.constant 0 : index
    %get3A_6 = arith.constant 0 : index
    %get3A_7 = arith.constant 0 : index
    %get3A_8 = vector.load %arg2[%get3A_5, %get3A_6, %get3A_7] : memref<2x1000x128xf32, #tpu.memory_space<vmem>>, vector<2x1000x128xf32>
    %slice3A_9 = vector.extract_strided_slice %get3A_8 {offsets = [0, 0, 0], sizes = [1, 1000, 128], strides = [1, 1, 1]} : vector<2x1000x128xf32> to vector<1x1000x128xf32>
    %squeeze3A_10 = vector.shape_cast %slice3A_9 : vector<1x1000x128xf32> to vector<1000x128xf32>
    %slice3A_11 = vector.extract_strided_slice %get3A_8 {offsets = [1, 0, 0], sizes = [1, 1000, 128], strides = [1, 1, 1]} : vector<2x1000x128xf32> to vector<1x1000x128xf32>
    %squeeze3A_12 = vector.shape_cast %slice3A_11 : vector<1x1000x128xf32> to vector<1000x128xf32>
    %concatenate3A_13 = tpu.concatenate %squeeze3A_10, %squeeze3A_12 in 1 : vector<1000x128xf32>, vector<1000x128xf32> -> vector<1000x256xf32>
    %get3A_14 = arith.constant 0 : index
    %get3A_15 = arith.constant 0 : index
    %get3A_16 = vector.load %arg3[%get3A_14, %get3A_15] : memref<1000x16xf32, #tpu.memory_space<vmem>>, vector<1000x16xf32>
    %reduce_sum3A = arith.constant dense<0.000000e+00> : vector<1000xf32>
    %reduce_sum3A_17 = vector.multi_reduction <add>, %get3A_16, %reduce_sum3A [1] : vector<1000x16xf32> to vector<1000xf32>
    %broadcast_in_dim3A = vector.shape_cast %reduce_sum3A_17 : vector<1000xf32> to vector<1000x1xf32>
    %max3A = arith.constant 1.000000e+00 : f32
    %max3A_18 = vector.broadcast %max3A : f32 to vector<1000x1xf32>
    %max3A_19 = arith.maximumf %broadcast_in_dim3A, %max3A_18 : vector<1000x1xf32>
    %div3A = vector.broadcast %max3A_19 : vector<1000x1xf32> to vector<1000x256xf32>
    %div3A_20 = arith.divf %concatenate3A_13, %div3A : vector<1000x256xf32>
    %get3A_21 = arith.constant 0 : index
    %get3A_22 = arith.constant 0 : index
    %get3A_23 = vector.load %arg4[%get3A_21, %get3A_22] : memref<256x256xf32, #tpu.memory_space<vmem>>, vector<256x256xf32>
    %dot_general3A = arith.constant dense<0.000000e+00> : vector<1000x256xf32>
    %dot_general3A_24 = tpu.matmul %concatenate3A, %get3A_23, %dot_general3A {dimension_numbers = #tpu.dot_dimension_numbers<[1], [0], [0], [1], [0, 0, 1, 1], [], []>, transpose_lhs_hint = false} : vector<1000x256xf32>, vector<256x256xf32>, vector<1000x256xf32> -> vector<1000x256xf32>
    %get3A_25 = arith.constant 0 : index
    %get3A_26 = arith.constant 0 : index
    %get3A_27 = vector.load %arg5[%get3A_25, %get3A_26] : memref<1x256xf32, #tpu.memory_space<vmem>>, vector<1x256xf32>
    %add3A = vector.broadcast %get3A_27 : vector<1x256xf32> to vector<1000x256xf32>
    %add3A_28 = arith.addf %dot_general3A_24, %add3A : vector<1000x256xf32>
    %get3A_29 = arith.constant 0 : index
    %get3A_30 = arith.constant 0 : index
    %get3A_31 = vector.load %arg6[%get3A_29, %get3A_30] : memref<256x256xf32, #tpu.memory_space<vmem>>, vector<256x256xf32>
    %dot_general3A_32 = arith.constant dense<0.000000e+00> : vector<1000x256xf32>
    %dot_general3A_33 = tpu.matmul %div3A_20, %get3A_31, %dot_general3A_32 {dimension_numbers = #tpu.dot_dimension_numbers<[1], [0], [0], [1], [0, 0, 1, 1], [], []>, transpose_lhs_hint = false} : vector<1000x256xf32>, vector<256x256xf32>, vector<1000x256xf32> -> vector<1000x256xf32>
    %add3A_34 = arith.addf %add3A_28, %dot_general3A_33 : vector<1000x256xf32>
    %get3A_35 = arith.constant 0 : index
    %get3A_36 = arith.constant 0 : index
    %get3A_37 = vector.load %arg7[%get3A_35, %get3A_36] : memref<1x256xf32, #tpu.memory_space<vmem>>, vector<1x256xf32>
    %add3A_38 = vector.broadcast %get3A_37 : vector<1x256xf32> to vector<1000x256xf32>
    %add3A_39 = arith.addf %add3A_34, %add3A_38 : vector<1000x256xf32>
    %get3A_40 = arith.constant 0 : index
    %get3A_41 = arith.constant 0 : index
    %get3A_42 = vector.load %arg10[%get3A_40, %get3A_41] : memref<1x256xf32, #tpu.memory_space<vmem>>, vector<1x256xf32>
    %sub3A = vector.broadcast %get3A_42 : vector<1x256xf32> to vector<1000x256xf32>
    %sub3A_43 = arith.subf %add3A_39, %sub3A : vector<1000x256xf32>
    %get3A_44 = arith.constant 0 : index
    %get3A_45 = arith.constant 0 : index
    %get3A_46 = vector.load %arg8[%get3A_44, %get3A_45] : memref<1x256xf32, #tpu.memory_space<vmem>>, vector<1x256xf32>
    %get3A_47 = arith.constant 0 : index
    %get3A_48 = arith.constant 0 : index
    %get3A_49 = vector.load %arg11[%get3A_47, %get3A_48] : memref<1x256xf32, #tpu.memory_space<vmem>>, vector<1x256xf32>
    %add3A_50 = arith.constant 9.99999974E-6 : f32
    %add3A_51 = vector.broadcast %add3A_50 : f32 to vector<1x256xf32>
    %add3A_52 = arith.addf %get3A_49, %add3A_51 : vector<1x256xf32>
    %rsqrt3A = math.rsqrt %add3A_52 : vector<1x256xf32>
    %mul3A = arith.mulf %get3A_46, %rsqrt3A : vector<1x256xf32>
    %mul3A_53 = vector.broadcast %mul3A : vector<1x256xf32> to vector<1000x256xf32>
    %mul3A_54 = arith.mulf %sub3A_43, %mul3A_53 : vector<1000x256xf32>
    %get3A_55 = arith.constant 0 : index
    %get3A_56 = arith.constant 0 : index
    %get3A_57 = vector.load %arg9[%get3A_55, %get3A_56] : memref<1x256xf32, #tpu.memory_space<vmem>>, vector<1x256xf32>
    %add3A_58 = vector.broadcast %get3A_57 : vector<1x256xf32> to vector<1000x256xf32>
    %add3A_59 = arith.addf %mul3A_54, %add3A_58 : vector<1000x256xf32>
    %max3A_60 = arith.constant 0.000000e+00 : f32
    %max3A_61 = vector.broadcast %max3A_60 : f32 to vector<1000x256xf32>
    %max3A_62 = arith.maximumf %add3A_59, %max3A_61 : vector<1000x256xf32>
    %add3A_63 = arith.addf %concatenate3A, %max3A_62 : vector<1000x256xf32>
    %get3A_64 = arith.constant 0 : index
    %get3A_65 = arith.constant 0 : index
    %get3A_66 = vector.load %arg12[%get3A_64, %get3A_65] : memref<256x768xf32, #tpu.memory_space<vmem>>, vector<256x768xf32>
    %dot_general3A_67 = arith.constant dense<0.000000e+00> : vector<1000x768xf32>
    %dot_general3A_68 = tpu.matmul %add3A_63, %get3A_66, %dot_general3A_67 {dimension_numbers = #tpu.dot_dimension_numbers<[1], [0], [0], [1], [0, 0, 1, 1], [], []>, transpose_lhs_hint = false} : vector<1000x256xf32>, vector<256x768xf32>, vector<1000x768xf32> -> vector<1000x768xf32>
    %get3A_69 = arith.constant 0 : index
    %get3A_70 = arith.constant 0 : index
    %get3A_71 = vector.load %arg13[%get3A_69, %get3A_70] : memref<1x768xf32, #tpu.memory_space<vmem>>, vector<1x768xf32>
    %add3A_72 = vector.broadcast %get3A_71 : vector<1x768xf32> to vector<1000x768xf32>
    %add3A_73 = arith.addf %dot_general3A_68, %add3A_72 : vector<1000x768xf32>
    %slice3A_74 = vector.extract_strided_slice %add3A_73 {offsets = [0, 0], sizes = [1000, 256], strides = [1, 1]} : vector<1000x768xf32> to vector<1000x256xf32>
    %logistic3A = arith.negf %slice3A_74 : vector<1000x256xf32>
    %logistic3A_75 = math.exp %logistic3A : vector<1000x256xf32>
    %logistic3A_76 = arith.constant 1.000000e+00 : f32
    %logistic3A_77 = vector.broadcast %logistic3A_76 : f32 to vector<1000x256xf32>
    %logistic3A_78 = arith.addf %logistic3A_77, %logistic3A_75 : vector<1000x256xf32>
    %logistic3A_79 = arith.divf %logistic3A_77, %logistic3A_78 : vector<1000x256xf32>
    %slice3A_80 = vector.extract_strided_slice %add3A_73 {offsets = [0, 256], sizes = [1000, 256], strides = [1, 1]} : vector<1000x768xf32> to vector<1000x256xf32>
    %tanh3A = math.tanh %slice3A_80 : vector<1000x256xf32>
    %slice3A_81 = vector.extract_strided_slice %add3A_73 {offsets = [0, 512], sizes = [1000, 256], strides = [1, 1]} : vector<1000x768xf32> to vector<1000x256xf32>
    %logistic3A_82 = arith.negf %slice3A_81 : vector<1000x256xf32>
    %logistic3A_83 = math.exp %logistic3A_82 : vector<1000x256xf32>
    %logistic3A_84 = arith.constant 1.000000e+00 : f32
    %logistic3A_85 = vector.broadcast %logistic3A_84 : f32 to vector<1000x256xf32>
    %logistic3A_86 = arith.addf %logistic3A_85, %logistic3A_83 : vector<1000x256xf32>
    %logistic3A_87 = arith.divf %logistic3A_85, %logistic3A_86 : vector<1000x256xf32>
    %mul3A_88 = arith.mulf %logistic3A_79, %tanh3A : vector<1000x256xf32>
    %tanh3A_89 = math.tanh %mul3A_88 : vector<1000x256xf32>
    %mul3A_90 = arith.mulf %logistic3A_87, %tanh3A_89 : vector<1000x256xf32>
    %get3A_91 = arith.constant 0 : index
    %get3A_92 = arith.constant 0 : index
    %get3A_93 = vector.load %arg14[%get3A_91, %get3A_92] : memref<256x16xf32, #tpu.memory_space<vmem>>, vector<256x16xf32>
    %dot_general3A_94 = arith.constant dense<0.000000e+00> : vector<1000x16xf32>
    %dot_general3A_95 = tpu.matmul %mul3A_90, %get3A_93, %dot_general3A_94 {dimension_numbers = #tpu.dot_dimension_numbers<[1], [0], [0], [1], [0, 0, 1, 1], [], []>, transpose_lhs_hint = false} : vector<1000x256xf32>, vector<256x16xf32>, vector<1000x16xf32> -> vector<1000x16xf32>
    %get3A_96 = arith.constant 0 : index
    %get3A_97 = arith.constant 0 : index
    %get3A_98 = vector.load %arg15[%get3A_96, %get3A_97] : memref<1x16xf32, #tpu.memory_space<vmem>>, vector<1x16xf32>
    %add3A_99 = vector.broadcast %get3A_98 : vector<1x16xf32> to vector<1000x16xf32>
    %add3A_100 = arith.addf %dot_general3A_95, %add3A_99 : vector<1000x16xf32>
    %swap3A = arith.constant 0 : index
    %swap3A_101 = arith.constant 0 : index
    %swap3A_102 = vector.load %arg16[%swap3A, %swap3A_101] : memref<1000x16xf32, #tpu.memory_space<vmem>>, vector<1000x16xf32>
    tpu.vector_store %arg16[%swap3A, %swap3A_101], %add3A_100 {strides = array<i32>} : memref<1000x16xf32, #tpu.memory_space<vmem>>, vector<1000x16xf32>,
    return
  }
  func.func @transform_0(%arg0: i32) -> (i32, i32, i32) {
    %c0_i32 = arith.constant 0 : i32
    %c0_i32_0 = arith.constant 0 : i32
    %c0_i32_1 = arith.constant 0 : i32
    return %c0_i32, %arg0, %c0_i32_0 : i32, i32, i32
  }
  func.func @transform_1(%arg0: i32) -> (i32, i32, i32) {
    %c0_i32 = arith.constant 0 : i32
    %c0_i32_0 = arith.constant 0 : i32
    %c0_i32_1 = arith.constant 0 : i32
    return %c0_i32, %arg0, %c0_i32_0 : i32, i32, i32
  }
  func.func @transform_2(%arg0: i32) -> (i32, i32) {
    %c0_i32 = arith.constant 0 : i32
    %c0_i32_0 = arith.constant 0 : i32
    return %arg0, %c0_i32 : i32, i32
  }
  func.func @transform_3(%arg0: i32) -> (i32, i32) {
    %c0_i32 = arith.constant 0 : i32
    %c0_i32_0 = arith.constant 0 : i32
    %c0_i32_1 = arith.constant 0 : i32
    return %c0_i32, %c0_i32_0 : i32, i32
  }
  func.func @transform_4(%arg0: i32) -> (i32, i32) {
    %c0_i32 = arith.constant 0 : i32
    %c0_i32_0 = arith.constant 0 : i32
    %c0_i32_1 = arith.constant 0 : i32
    return %c0_i32, %c0_i32_0 : i32, i32
  }
  func.func @transform_5(%arg0: i32) -> (i32, i32) {
    %c0_i32 = arith.constant 0 : i32
    %c0_i32_0 = arith.constant 0 : i32
    %c0_i32_1 = arith.constant 0 : i32
    return %c0_i32, %c0_i32_0 : i32, i32
  }
  func.func @transform_6(%arg0: i32) -> (i32, i32) {
    %c0_i32 = arith.constant 0 : i32
    %c0_i32_0 = arith.constant 0 : i32
    %c0_i32_1 = arith.constant 0 : i32
    return %c0_i32, %c0_i32_0 : i32, i32
  }
  func.func @transform_7(%arg0: i32) -> (i32, i32) {
    %c0_i32 = arith.constant 0 : i32
    %c0_i32_0 = arith.constant 0 : i32
    %c0_i32_1 = arith.constant 0 : i32
    return %c0_i32, %c0_i32_0 : i32, i32
  }
  func.func @transform_8(%arg0: i32) -> (i32, i32) {
    %c0_i32 = arith.constant 0 : i32
    %c0_i32_0 = arith.constant 0 : i32
    %c0_i32_1 = arith.constant 0 : i32
    return %c0_i32, %c0_i32_0 : i32, i32
  }
  func.func @transform_9(%arg0: i32) -> (i32, i32) {
    %c0_i32 = arith.constant 0 : i32
    %c0_i32_0 = arith.constant 0 : i32
    %c0_i32_1 = arith.constant 0 : i32
    return %c0_i32, %c0_i32_0 : i32, i32
  }
  func.func @transform_10(%arg0: i32) -> (i32, i32) {
    %c0_i32 = arith.constant 0 : i32
    %c0_i32_0 = arith.constant 0 : i32
    %c0_i32_1 = arith.constant 0 : i32
    return %c0_i32, %c0_i32_0 : i32, i32
  }
  func.func @transform_11(%arg0: i32) -> (i32, i32) {
    %c0_i32 = arith.constant 0 : i32
    %c0_i32_0 = arith.constant 0 : i32
    %c0_i32_1 = arith.constant 0 : i32
    return %c0_i32, %c0_i32_0 : i32, i32
  }
  func.func @transform_12(%arg0: i32) -> (i32, i32) {
    %c0_i32 = arith.constant 0 : i32
    %c0_i32_0 = arith.constant 0 : i32
    %c0_i32_1 = arith.constant 0 : i32
    return %c0_i32, %c0_i32_0 : i32, i32
  }
  func.func @transform_13(%arg0: i32) -> (i32, i32) {
    %c0_i32 = arith.constant 0 : i32
    %c0_i32_0 = arith.constant 0 : i32
    %c0_i32_1 = arith.constant 0 : i32
    return %c0_i32, %c0_i32_0 : i32, i32
  }
  func.func @transform_14(%arg0: i32) -> (i32, i32) {
    %c0_i32 = arith.constant 0 : i32
    %c0_i32_0 = arith.constant 0 : i32
    %c0_i32_1 = arith.constant 0 : i32
    return %c0_i32, %c0_i32_0 : i32, i32
  }
  func.func @transform_15(%arg0: i32) -> (i32, i32) {
    %c0_i32 = arith.constant 0 : i32
    %c0_i32_0 = arith.constant 0 : i32
    return %arg0, %c0_i32 : i32, i32
  }
}

</mosaic_0001>

<sc_bundles>
// kernel: kernel.10.cloned.1.call-start
scs
__scs_entry_jumppad:
0x0: {  	(pc) =	sbr.rel $0x88, $3  }
0x1: {  	(tag) =	ssettag $0x0;
	lr =	simm.s32 $0x1  }
0x2: {  	[smem:$0x3F88] =	sst lr;
	_ =	strace $0xD0000000  }
0x3: {  	_ = 	snop  }
0x4: {  	_ = 	snop  }
0x5: {  	_ = 	snop  }
0x6: {  	_ = 	snop  }
0x7: {  	_ = 	snop  }
__scs_overlays_trampoline_lowered:
0x8: {  	[smem:$0x3F97] =	sst s0  }
0x9: {  	[smem:$0x3F98] =	sst s1  }
0xa: {  	[smem:$0x3F99] =	sst s2  }
0xb: {  	[smem:$0x3F9A] =	sst s3  }
0xc: {  	[smem:$0x3F9B] =	sst s4  }
0xd: {  	[smem:$0x3F9C] =	sst s5  }
0xe: {  	[smem:$0x3F9D] =	sst s6  }
0xf: {  	[smem:$0x3F9E] =	sst s7  }
0x10: {  	[smem:$0x3F9F] =	sst s8  }
0x11: {  	[smem:$0x3FA0] =	sst s9;
	s0 =	simm.s32 @!p0 $0x0  }
0x12: {  	s1 =	sld [smem:$0x3F86];
	s0 =	simm.s32 @p0 $0x1  }
0x13: {  	[smem:$0x3FA1] =	sst s0;
	s0 =	simm.s32 @!p1 $0x0  }
0x14: {  	s2 =	sld [smem:$0x3F85];
	s0 =	simm.s32 @p1 $0x1  }
0x15: {  	[smem:$0x3FA2] =	sst s0;
	s0 =	simm.s32 @!p2 $0x0  }
0x16: {  	s3 =	sld [smem:$0x3FDB];
	s0 =	simm.s32 @p2 $0x1  }
0x17: {  	s4 =	simm.s32 $0x1BF5;
	[smem:$0x3FA4] =	sst s0  }
0x18: {  	s0 =	sld [smem:$0x3F87];
	_ =	swait.ge [sflag:s4], $0x0  }
0x19: {  	s7 =	sld [smem:$0x3F88]  }
0x1a: {  	s8 =	sadd.s32 $0xFFFFE003, lr  }
0x1b: {  	s9 =	sadd.s32 $0xFFFFFEF7, lr;
	s5 =	simm.s32 $0xFFFFFFFF;
	p2 =	slt.u32 s8, $0xFFFFF086  }
0x1c: {  	p1 =	slt.u32 s9, $0xF7A;
	s5 =	simm.s32 @!p2 $0x0  }
0x1d: {  	s5 =	simm.s32 @p1 $0x1;
	p0 =	seq.s32 s7, s2  }
0x1e: {  	s7 =	smul.u32 @!p0 $0xF7A, s2;
	p2 =	seq.s32 @!p0 s5, $0x0  }
0x1f: {  	s9 =	smul.u32 $0xF7A, s1;
	s8 =	simm.s32 @!p0 $0x1BF5;
	p2 =	por !p2, p0  }
0x20: {  	[sflag:s8] =	ssyncset.s32 @!p0 $0xFFFFF086;
	s6 =	sadd.s32 @!p0 s3, s7;
	s7 =	simm.s32 @!p0 $0x108  }
0x21: {  	s3 =	sadd.s32 s3, s9;
	s6 =	sadd.s32 @!p0 $0x88, s6;
	s7 =	simm.s32 @p2 $0x1082  }
0x22: {  	[simem:s7], [sflag:s8] =	dma.local @!p0 [hbm:s6], $0xF7A  }
0x23: {  	s9 =	sor.u32 $0xD0000000, s2;
	s6 =	simm.s32 $0x108;
	_ =	swait.ge @!p0 [sflag:s8], $0x0  }
0x24: {  	s3 =	sadd.s32 $0x88, s3;
	s6 =	simm.s32 @!p1 $0x1082;
	[sflag:s4] =	ssyncset.s32 $0xFFFFF086  }
0x25: {  	[simem:s6], [sflag:s4] =	dma.local [hbm:s3], $0xF7A  }
0x26: {  	[smem:$0x3F88] =	sst s1;
	(tag) =	ssettag s2;
	_ =	strace s9  }
0x27: {  	s1 =	sld [smem:$0x3F98]  }
0x28: {  	s2 =	sld [smem:$0x3F99]  }
0x29: {  	s4 =	sld [smem:$0x3F9B]  }
0x2a: {  	p0 =	seq.s32 s5, $0x0;
	s5 =	sld [smem:$0x3F9C]  }
0x2b: {  	s6 =	sld [smem:$0x3F9D]  }
0x2c: {  	s7 =	sld [smem:$0x3F9E]  }
0x2d: {  	s3 =	simm.s32 $0x108;
	s8 =	sld [smem:$0x3F9F]  }
0x2e: {  	s3 =	simm.s32 @!p0 $0x1082;
	s9 =	sld [smem:$0x3FA0]  }
0x2f: {  	lr =	sadd.s32 s0, s3;
	s0 =	sld [smem:$0x3F97]  }
0x30: {  	s3 =	sld [smem:$0x3F9A]  }
0x31: {  	[smem:$0x3FA3] =	sst s10  }
0x32: {  	s10 =	sld [smem:$0x3FA1];
	_ =	sdelay $0x3  }
0x33: {  	p0 =	seq.s32 s10, $0x1;
	s10 =	sld [smem:$0x3FA3];
	_ =	sdelay $0x3  }
0x34: {  	[smem:$0x3FA3] =	sst s10  }
0x35: {  	s10 =	sld [smem:$0x3FA2];
	_ =	sdelay $0x3  }
0x36: {  	p1 =	seq.s32 s10, $0x1;
	s10 =	sld [smem:$0x3FA3];
	_ =	sdelay $0x3  }
0x37: {  	[smem:$0x3FA3] =	sst s10  }
0x38: {  	s10 =	sld [smem:$0x3FA4]  }
0x39: {  	_ = 	snop;
	(pc) =	sbr.ind lr, $3  }
0x3a: {  	_ = 	snop  }
0x3b: {  	_ = 	snop  }
0x3c: {  	p2 =	seq.s32 s10, $0x1;
	s10 =	sld [smem:$0x3FA3]  }
0x3d: {  	_ =	shalt  }
0x3e: {  	_ =	shalt  }
0x3f: {  	_ =	shalt  }
0x40: {  	_ =	shalt  }
0x41: {  	_ =	shalt  }
0x42: {  	_ =	shalt  }
0x43: {  	_ =	shalt  }
0x44: {  	_ =	shalt  }
0x45: {  	_ =	shalt  }
0x46: {  	_ =	shalt  }
0x47: {  	_ =	shalt  }
0x48: {  	_ =	shalt  }
0x49: {  	_ =	shalt  }
0x4a: {  	_ =	shalt  }
0x4b: {  	_ =	shalt  }
0x4c: {  	_ =	shalt  }
0x4d: {  	_ =	shalt  }
0x4e: {  	_ =	shalt  }
0x4f: {  	_ =	shalt  }
0x50: {  	_ =	shalt  }
0x51: {  	_ =	shalt  }
0x52: {  	_ =	shalt  }
0x53: {  	_ =	shalt  }
0x54: {  	_ =	shalt  }
0x55: {  	_ =	shalt  }
0x56: {  	_ =	shalt  }
0x57: {  	_ =	shalt  }
0x58: {  	_ =	shalt  }
0x59: {  	_ =	shalt  }
0x5a: {  	_ =	shalt  }
0x5b: {  	_ =	shalt  }
0x5c: {  	_ =	shalt  }
0x5d: {  	_ =	shalt  }
0x5e: {  	_ =	shalt  }
0x5f: {  	_ =	shalt  }
0x60: {  	_ =	shalt  }
0x61: {  	_ =	shalt  }
0x62: {  	_ =	shalt  }
0x63: {  	_ =	shalt  }
0x64: {  	_ =	shalt  }
0x65: {  	_ =	shalt  }
0x66: {  	_ =	shalt  }
0x67: {  	_ =	shalt  }
0x68: {  	_ =	shalt  }
0x69: {  	_ =	shalt  }
0x6a: {  	_ =	shalt  }
0x6b: {  	_ =	shalt  }
0x6c: {  	_ =	shalt  }
0x6d: {  	_ =	shalt  }
0x6e: {  	_ =	shalt  }
0x6f: {  	_ =	shalt  }
0x70: {  	_ =	shalt  }
0x71: {  	_ =	shalt  }
0x72: {  	_ =	shalt  }
0x73: {  	_ =	shalt  }
0x74: {  	_ =	shalt  }
0x75: {  	_ =	shalt  }
0x76: {  	_ =	shalt  }
0x77: {  	_ =	shalt  }
0x78: {  	_ =	shalt  }
0x79: {  	_ =	shalt  }
0x7a: {  	_ =	shalt  }
0x7b: {  	_ =	shalt  }
0x7c: {  	_ =	shalt  }
0x7d: {  	_ =	shalt  }
0x7e: {  	_ =	shalt  }
0x7f: {  	_ =	shalt  }
0x80: {  	_ =	shalt  }
0x81: {  	_ =	shalt  }
0x82: {  	_ =	shalt  }
0x83: {  	_ =	shalt  }
0x84: {  	_ =	shalt  }
0x85: {  	_ =	shalt  }
0x86: {  	_ =	shalt  }
0x87: {  	_ =	shalt  }
.Lfunc_end0:
.L_simem_size_0:
called_computation.1_lowered:
.L_overlay_start_0:
0x88: {  	s2 =	sld [smem:$0x3FD9]  }
0x89: {  	s3 =	sld [smem:$0x3FFE];
	_ =	sdelay $0x1  }
0x8a: {  	s1 =	srdreg.scid  }
0x8b: {  	s0 =	sand.u32 $0x1, s1  }
0x8c: {  	s17 =	sshll.u32 s0, $0xA;
	s2 =	sadd.s32 s3, s2  }
0x8d: {  	s2 =	sadd.s32 s2, s17  }
0x8e: {  	[smem:$0x3FAF] =	sst s2  }
0x8f: {  	_ = 	snop  }
0x90: {  	s2 =	sld [smem:$0x3FD0];
	(tm) =	ssettm $0x1  }
0x91: {  	s18 =	sld [smem:$0x3FFB];
	_ =	sdelay $0x3  }
0x92: {  	_ =	strace s18  }
0x93: {  	s3 =	sld [smem:$0x3FFC];
	_ =	sdelay $0x3  }
0x94: {  	_ =	strace s3  }
0x95: {  	s3 =	sld [smem:$0x3FFD];
	_ =	sdelay $0x3  }
0x96: {  	_ =	strace s3  }
0x97: {  	_ =	strace $0x8FFFFFFF  }
0x98: {  	s19 =	sld [smem:$0x3FDB];
	_ =	sdelay $0x1  }
0x99: {  	s4 =	simm.s32 $_scs_section_size  }
0x9a: {  	s5 =	simm.s32 $_size__tile_overlayer_lowered;
	s6 =	simm.s32 $_tile_overlayer_lowered  }
0x9b: {  	s22 =	simm.s32 $0x1BFF;
	s21 =	sshll.u32 s6, $0x1;
	s3 =	sadd.s32 s4, s19  }
0x9c: {  	s7 =	simm.s32 $0x0;
	s20 =	sshll.u32 s5, $0x1;
	s5 =	sadd.s32 s21, s3  }
0x9d: {  	[timem:s7], [sflag:s22] =	dma.local [hbm:s5], s20  }
0x9e: {  	_ =	swait.ge [sflag:s22], s20  }
0x9f: {  	s4 =	ssub.s32 $0x0, s20;
	[sflag:s22] =	ssyncset.done $0x0  }
0xa0: {  	[sflag:s22] =	ssyncadd.s32 s4;
	_ =	sdelay $0x1  }
0xa1: {  	s23 =	simm.s32 $0x1B8B  }
0xa2: {  	_ =	swait.ge [sflag:s23], $0x1  }
0xa3: {  	[sflag:s23] =	ssyncset.done $0x0  }
0xa4: {  	s25 =	simm.s32 $0x1B8E;
	s24 =	sld [smem:$0x3FFE];
	[sflag:s23] =	ssyncadd.s32 $0xFFFFFFFF  }
0xa5: {  	s26 =	simm.s32 $execute0_lowered;
	[smem:$0x3FD2] =	sst s25  }
0xa6: {  	s5 =	sshll.u32 s26, $0x1;
	_ =	strace $0x80000049;
	[dreg:$0x1] =	wrdreg $0xFFFFFFFF  }
0xa7: {  	s28 =	simm.s32 $_size_execute0_lowered;
	s3 =	sadd.s32 s3, s5;
	[dreg:$0x0] =	wrdreg $0x0  }
0xa8: {  	s5 =	sshll.u32 s28, $0x1;
	[dreg:$0x2] =	wrdreg s3  }
0xa9: {  	[dreg:$0x3] =	wrdreg s5  }
0xaa: {  	[dreg:$0x4] =	wrdreg $0xC0  }
0xab: {  	_ =	task [dreg:s7], $0x5FFFF  }
0xac: {  	[dreg:$0x1] =	wrdreg $0xFFFFFFFF  }
0xad: {  	[dreg:$0x0] =	wrdreg $0x60  }
0xae: {  	[dreg:$0x2] =	wrdreg s24  }
0xaf: {  	[dreg:$0x3] =	wrdreg s2  }
0xb0: {  	[dreg:$0x4] =	wrdreg $0x82000  }
0xb1: {  	[dreg:$0x5] =	wrdreg $0x9  }
0xb2: {  	_ =	task.clear_ibuf [dreg:s7], $0x6FFFF;
	_ =	strace $0x90000049  }
0xb3: {  	s29 =	simm.s32 $0x9;
	_ =	strace $0x8000004B  }
0xb4: {  	_ =	swait.ge [sflag:s29], $0x1  }
0xb5: {  	[sflag:s29] =	ssyncadd.s32 $0xFFFFFFFF  }
0xb6: {  	_ =	strace $0x9000004B  }
0xb7: {  	_ =	sfence  }
0xb8: {  	s30 =	sld [smem:$0x0];
	_ =	sdelay $0x2  }
0xb9: {  	s31 =	sshll.u32 s1, $0xD;
	s1 =	sshrl.u32 s1, $0x2  }
0xba: {  	s3 =	sand.u32 $0x4000, s31;
	s1 =	sadd.s32 s1, s30  }
0xbb: {  	s0 =	sor.u32 s3, s0;
	s1 =	sshll.u32 s1, $0x11  }
0xbc: {  	s0 =	sor.u32 s1, s0  }
0xbd: {  	s0 =	sadd.s32 $0x8F2B, s0  }
0xbe: {  	[sflag:s0] =	ssyncadd.remote.s32 $0x1  }
0xbf: {  	_ =	sfence.sel $0xFFFF  }
0xc0: {  	[dreg:$0x0] =	wrdreg $0xFFFFFFFF;
	(pc) =	sbr.abs _section_cstart, $3  }
0xc1: {  	[dreg:$0x1] =	wrdreg $0xFFFFFFFF  }
0xc2: {  	_ =	task.clear_ibuf [dreg:s7], $0x2FFFF;
	_ =	strace $0x9FFFFFFF  }
0xc3: {  	(tm) =	ssettm $0x7FFFFFFF  }
tec
execute0_lowered:
.L_overlay_start_1:
0x0: {  	(tag) =	ssettag $0x1  }
0x1: {  	s6 =	rddreg [dreg:$0x0]  }
0x2: {  	s1 =	rddreg [dreg:$0x1]  }
0x3: {  	s2 =	rddreg [dreg:$0x2];
	s3 =	srdreg.scid  }
0x4: {  	s0 =	rddreg [dreg:$0x3];
	s4 =	simm.s32 $0x0;
	s19 =	simm.s32 $0x80  }
0x5: {  	s20 =	simm.s32 $0x100;
	s21 =	simm.s32 $0x4;
	s7 =	sand.u32 $0x1, s3  }
0x6: {  	s22 =	simm.s32 $0x4200;
	s3 =	stileid.u32;
	s8 =	smul.u32 $0x140000, s7  }
0x7: {  	s23 =	simm.s32 $0x1;
	s24 =	simm.s32 $0x3;
	s9 =	smul.u32 $0x14000, s3  }
0x8: {  	s28 =	simm.s32 $0x0;
	[smem:$0x7FF] =	sst s4;
	s10 =	smul.u32 $0x50000, s3  }
0x9: {  	s5 =	sadd.s32 $0x5400, s6;
	s16 =	sadd.s32 $0x53600, s6;
	s25 =	smul.u32 $0xA0000, s7  }
0xa: {  	_ =	strace $0x8000004A;
	s11 =	smul.u32 $0xA000, s3;
	s7 =	ssub.s32 $0x2, s7  }
0xb: {  	s29 =	sshrl.u32 s7, $0x1;
	s8 =	sadd.s32 s9, s8;
	s26 =	sshrl.u32 s10, $0x2  }
0xc: {  	s14 =	sadd.s32 s11, s25;
	s15 =	ssub.s32 s7, s29;
	s25 =	simm.s32 $0x2  }
0xd: {  	s8 =	sshrl.u32 s8, $0x3;
	s30 =	sshrl.u32 s14, $0x3;
	s17 =	sor.u32 $0x300, s14  }
0xe: {  	s18 =	sor.u32 $0x200, s14;
	s14 =	smax.u32 s15, $0x1;
	s13 =	sadd.s32 s8, s6  }
0xf: {  	s6 =	sadd.s32 s26, s2;
	s10 =	sadd.s32 s16, s30;
	s17 =	sshrl.u32 s17, $0x3  }
0x10: {  	s31 =	sshrl.u32 s18, $0x3;
	s18 =	simm.s32 $0x5;
	s26 =	simm.s32 $0x180  }
0x11: {  	s7 =	sadd.s32 $0x4000, s6;
	s8 =	sadd.s32 $0x8000, s6;
	s9 =	sadd.s32 $0xC000, s6  }
0x12: {  	s11 =	sadd.s32 $0x10000, s6;
	s12 =	sadd.s32 $0x20, s10;
	s13 =	sadd.s32 $0x7B600, s13  }
0x13: {  	s15 =	sadd.s32 s17, s16;
	s16 =	sadd.s32 s31, s16;
	s17 =	simm.s32 $0x200  }
.LBB2_1:
0x14: {  	[tilespmem:s17], [sflag:$0x5] =	stream.linear.gather [hbm4b:s1+s4], $0x4000, $0x38;
	[tilespmem:$0x1C200] =	vst v63  }
0x15: {  	_ =	swait.ge [sflag:s18], $0x4000  }
0x16: {  	[sflag:s18] =	ssyncset.done $0x0  }
0x17: {  	[sflag:s18] =	ssyncadd.s32 $0xFFFFC000  }
0x18: {  	[spmem:s6] =	stream.linear.scatter [tilespmem:s17], [sflag:$0x5], $0x4000, $0x38;
	[tilespmem:$0x1C200] =	vst v63  }
0x19: {  	_ =	swait.ge [sflag:s18], $0x4000  }
0x1a: {  	[sflag:s18] =	ssyncset.done $0x0  }
0x1b: {  	[sflag:s18] =	ssyncadd.s32 $0xFFFFC000  }
0x1c: {  	[spmem:s7] =	stream.linear.scatter [tilespmem:s17], [sflag:$0x5], $0x4000, $0x38;
	[tilespmem:$0x1C200] =	vst v63  }
0x1d: {  	_ =	swait.ge [sflag:s18], $0x4000  }
0x1e: {  	[sflag:s18] =	ssyncset.done $0x0  }
0x1f: {  	[sflag:s18] =	ssyncadd.s32 $0xFFFFC000  }
0x20: {  	[spmem:s8] =	stream.linear.scatter [tilespmem:s17], [sflag:$0x5], $0x4000, $0x38;
	[tilespmem:$0x1C200] =	vst v63  }
0x21: {  	_ =	swait.ge [sflag:s18], $0x4000  }
0x22: {  	[sflag:s18] =	ssyncset.done $0x0  }
0x23: {  	[sflag:s18] =	ssyncadd.s32 $0xFFFFC000  }
0x24: {  	[spmem:s9] =	stream.linear.scatter [tilespmem:s17], [sflag:$0x5], $0x4000, $0x38;
	[tilespmem:$0x1C200] =	vst v63  }
0x25: {  	_ =	swait.ge [sflag:s18], $0x4000  }
0x26: {  	[sflag:s18] =	ssyncset.done $0x0  }
0x27: {  	[sflag:s18] =	ssyncadd.s32 $0xFFFFC000  }
0x28: {  	[spmem:s11] =	stream.linear.scatter [tilespmem:s17], [sflag:$0x5], $0x4000, $0x38;
	[tilespmem:$0x1C200] =	vst v63  }
0x29: {  	_ =	swait.ge [sflag:s18], $0x4000  }
0x2a: {  	[sflag:s18] =	ssyncset.done $0x0  }
0x2b: {  	[sflag:s18] =	ssyncadd.s32 $0xFFFFC000  }
0x2c: {  	[bflag:$0x0] =	sbarrier.arrive $0xFFFF  }
0x2d: {  	[tilespmem:s4], [sflag:$0x5] =	stream.linear.gather [hbm4b:s10+s4], $0x100, $0x38;
	[tilespmem:$0x1C200] =	vst v63  }
0x2e: {  	_ =	swait.ge [sflag:s18], $0x100  }
0x2f: {  	[sflag:s18] =	ssyncset.done $0x0  }
0x30: {  	[sflag:s18] =	ssyncadd.s32 $0xFFFFFF00  }
0x31: {  	[tilespmem:s17], [sflag:$0x1] =	stream.indirect.gather [hbm4b:s5+s19], $0x80, s4, s19, $0xb8;
	[tilespmem:$0x1C200] =	vst v63  }
0x32: {  	_ = 	snop  }
0x33: {  	[tilespmem:s20], [sflag:$0x4] =	stream.linear.gather [hbm4b:s12+s4], $0x100, $0x38;
	[tilespmem:$0x1C200] =	vst v63  }
0x34: {  	_ =	swait.ge [sflag:s21], $0x100  }
0x35: {  	[sflag:s21] =	ssyncset.done $0x0  }
0x36: {  	[sflag:s21] =	ssyncadd.s32 $0xFFFFFF00  }
0x37: {  	[tilespmem:s22], [sflag:$0x2] =	stream.indirect.gather [hbm4b:s5+s19], $0x80, s20, s19, $0xb8;
	[tilespmem:$0x1C200] =	vst v63  }
0x38: {  	_ =	swait.ge [sflag:s23], $0x4000  }
0x39: {  	[sflag:s23] =	ssyncset.done $0x0  }
0x3a: {  	[sflag:s23] =	ssyncadd.s32 $0xFFFFC000  }
0x3b: {  	[spmem:s2] =	stream.indirect.scatter.add.f32 [tilespmem:s17], [sflag:$0x5], $0x80, s19, s19, $0xb8;
	[tilespmem:$0x1C200] =	vst v63  }
0x3c: {  	_ =	swait.ge [sflag:s18], $0x4000  }
0x3d: {  	[sflag:s18] =	ssyncset.done $0x0  }
0x3e: {  	s29 =	sadd.s32 $0x0, s16;
	[sflag:s18] =	ssyncadd.s32 $0xFFFFC000  }
0x3f: {  	[tilespmem:s4], [sflag:$0x3] =	stream.linear.gather [hbm4b:s29+s4], $0x100, $0x38;
	[tilespmem:$0x1C200] =	vst v63  }
0x40: {  	_ =	swait.ge [sflag:s24], $0x100  }
0x41: {  	[sflag:s24] =	ssyncset.done $0x0  }
0x42: {  	[sflag:s24] =	ssyncadd.s32 $0xFFFFFF00  }
0x43: {  	[tilespmem:s17], [sflag:$0x1] =	stream.indirect.gather [hbm4b:s5+s19], $0x80, s4, s19, $0xb8;
	[tilespmem:$0x1C200] =	vst v63  }
0x44: {  	_ =	swait.ge [sflag:s25], $0x4000  }
0x45: {  	[sflag:s25] =	ssyncset.done $0x0  }
0x46: {  	[sflag:s25] =	ssyncadd.s32 $0xFFFFC000  }
0x47: {  	[spmem:s2] =	stream.indirect.scatter.add.f32 [tilespmem:s22], [sflag:$0x5], $0x80, s26, s19, $0xb8;
	[tilespmem:$0x1C200] =	vst v63  }
0x48: {  	_ =	swait.ge [sflag:s18], $0x4000  }
0x49: {  	[sflag:s18] =	ssyncset.done $0x0  }
0x4a: {  	s30 =	sadd.s32 $0x0, s15;
	s29 =	simm.s32 $0x40;
	[sflag:s18] =	ssyncadd.s32 $0xFFFFC000  }
.LBB2_2:
0x4b: {  	[tilespmem:s20], [sflag:$0x4] =	stream.linear.gather [hbm4b:s30+s4], $0x100, $0x38;
	[tilespmem:$0x1C200] =	vst v63  }
0x4c: {  	s30 =	smov.u32 s29  }
0x4d: {  	p0 =	sne.s32 s29, $0x1380;
	s29 =	sadd.s32 $0x40, s29;
	_ =	swait.ge [sflag:s21], $0x100  }
0x4e: {  	[sflag:s21] =	ssyncset.done $0x0  }
0x4f: {  	[sflag:s21] =	ssyncadd.s32 $0xFFFFFF00  }
0x50: {  	[tilespmem:s22], [sflag:$0x2] =	stream.indirect.gather [hbm4b:s5+s19], $0x80, s20, s19, $0xb8;
	[tilespmem:$0x1C200] =	vst v63  }
0x51: {  	_ =	swait.ge [sflag:s23], $0x4000  }
0x52: {  	[sflag:s23] =	ssyncset.done $0x0  }
0x53: {  	[sflag:s23] =	ssyncadd.s32 $0xFFFFC000  }
0x54: {  	[spmem:s2] =	stream.indirect.scatter.add.f32 [tilespmem:s17], [sflag:$0x5], $0x80, s19, s19, $0xb8;
	[tilespmem:$0x1C200] =	vst v63  }
0x55: {  	_ =	swait.ge [sflag:s18], $0x4000  }
0x56: {  	[sflag:s18] =	ssyncset.done $0x0  }
0x57: {  	s31 =	sadd.s32 s30, s16;
	[sflag:s18] =	ssyncadd.s32 $0xFFFFC000  }
0x58: {  	[tilespmem:s4], [sflag:$0x3] =	stream.linear.gather [hbm4b:s31+s4], $0x100, $0x38;
	[tilespmem:$0x1C200] =	vst v63  }
0x59: {  	_ =	swait.ge [sflag:s24], $0x100  }
0x5a: {  	[sflag:s24] =	ssyncset.done $0x0  }
0x5b: {  	[sflag:s24] =	ssyncadd.s32 $0xFFFFFF00  }
0x5c: {  	[tilespmem:s17], [sflag:$0x1] =	stream.indirect.gather [hbm4b:s5+s19], $0x80, s4, s19, $0xb8;
	[tilespmem:$0x1C200] =	vst v63  }
0x5d: {  	_ =	swait.ge [sflag:s25], $0x4000  }
0x5e: {  	[sflag:s25] =	ssyncset.done $0x0  }
.Ltmp0:
0x5f: {  	[sflag:s25] =	ssyncadd.s32 $0xFFFFC000;
	(pc) =	sbr.rel @p0 .LBB2_2-.Ltmp0, $4  }
0x60: {  	[spmem:s2] =	stream.indirect.scatter.add.f32 [tilespmem:s22], [sflag:$0x5], $0x80, s26, s19, $0xb8;
	[tilespmem:$0x1C200] =	vst v63  }
0x61: {  	_ =	swait.ge [sflag:s18], $0x4000  }
0x62: {  	[sflag:s18] =	ssyncset.done $0x0  }
0x63: {  	s30 =	sadd.s32 s30, s15;
	[sflag:s18] =	ssyncadd.s32 $0xFFFFC000  }
0x64: {  	[tilespmem:s20], [sflag:$0x4] =	stream.linear.gather [hbm4b:s30+s4], $0x100, $0x38;
	[tilespmem:$0x1C200] =	vst v63  }
0x65: {  	_ =	swait.ge [sflag:s23], $0x4000  }
0x66: {  	[sflag:s23] =	ssyncset.done $0x0  }
0x67: {  	[sflag:s23] =	ssyncadd.s32 $0xFFFFC000  }
0x68: {  	_ =	swait.ge [sflag:s21], $0x100  }
0x69: {  	s29 =	sshll.u32 s3, $0x6;
	s28 =	sadd.s32 $0x1, s28;
	[sflag:s21] =	ssyncset.done $0x0  }
0x6a: {  	s31 =	sshrl.u32 s6, $0x3;
	p0 =	sne.s32 s28, s14;
	[sflag:s21] =	ssyncadd.s32 $0xFFFFFF00  }
.Ltmp1:
0x6b: {  	s29 =	sor.u32 $0x1C05, s29;
	[bflag:$0x0] =	sbarrier.arrive $0xFFFF;
	(pc) =	sbr.rel @p0 .LBB2_1-.Ltmp1, $4  }
0x6c: {  	[hbm:s13], [sflag:s29] =	dma.local [spmem:s31], $0x2800  }
0x6d: {  	_ =	swait.ge [sflag:s18], $0x2800  }
0x6e: {  	[sflag:s18] =	ssyncset.done $0x0  }
0x6f: {  	[sflag:s18] =	ssyncadd.s32 $0xFFFFD800  }
0x70: {  	_ =	sfence.sel $0x180000  }
0x71: {  	[bflag:$0x0] =	sbarrier.arrive $0xFFFF  }
0x72: {  	p0 =	sne.s32 s3, $0x0;
	_ =	strace $0x9000004A  }
0x73: {  	s0 =	sadd.s32 @!p0 $0x100000, s0;
	[bflag:$0x2] =	sbarrier.arrive $0xFFFF  }
0x74: {  	[sflag:s0] =	ssyncadd.tile.s32 @!p0 $0x1;
	_ =	shalt  }
.Lfunc_end2:
_tile_overlayer_lowered:
.L_overlay_start_2:
0x75: {  	(tag) =	ssettag $0x2  }
0x76: {  	s0 =	rddreg [dreg:$0x0];
	s2 =	stileid.u32  }
0x77: {  	s1 =	rddreg [dreg:$0x1];
	p0 =	sne.s32 s2, $0x0  }
0x78: {  	s3 =	rddreg [dreg:$0x2];
	[bflag:$0x3] =	sbarrier.arrive $0xFFFF;
	s2 =	simm.s32 @!p0 $0x1C05  }
0x79: {  	[timem:s3], [sflag:s2] =	dma.local @!p0 [hbm:s0], s1  }
0x7a: {  	s0 =	simm.s32 @!p0 $0x5  }
0x7b: {  	_ =	swait.ge @!p0 [sflag:s0], s1  }
0x7c: {  	s1 =	ssub.s32 @!p0 $0x0, s1;
	[sflag:s0] =	ssyncset.done @!p0 $0x0  }
0x7d: {  	[sflag:s0] =	ssyncadd.s32 @!p0 s1  }
0x7e: {  	[bflag:$0x3] =	sbarrier.arrive $0xFFFF  }
0x7f: {  	_ =	shalt  }

// kernel: kernel.7.cloned.1.call-start
scs
__scs_entry_jumppad:
0x0: {  	(pc) =	sbr.rel $0x88, $3  }
0x1: {  	(tag) =	ssettag $0x0;
	lr =	simm.s32 $0x1  }
0x2: {  	[smem:$0x3F88] =	sst lr;
	_ =	strace $0xD0000000  }
0x3: {  	_ = 	snop  }
0x4: {  	_ = 	snop  }
0x5: {  	_ = 	snop  }
0x6: {  	_ = 	snop  }
0x7: {  	_ = 	snop  }
__scs_overlays_trampoline_lowered:
0x8: {  	[smem:$0x3F97] =	sst s0  }
0x9: {  	[smem:$0x3F98] =	sst s1  }
0xa: {  	[smem:$0x3F99] =	sst s2  }
0xb: {  	[smem:$0x3F9A] =	sst s3  }
0xc: {  	[smem:$0x3F9B] =	sst s4  }
0xd: {  	[smem:$0x3F9C] =	sst s5  }
0xe: {  	[smem:$0x3F9D] =	sst s6  }
0xf: {  	[smem:$0x3F9E] =	sst s7  }
0x10: {  	[smem:$0x3F9F] =	sst s8  }
0x11: {  	[smem:$0x3FA0] =	sst s9;
	s0 =	simm.s32 @!p0 $0x0  }
0x12: {  	s1 =	sld [smem:$0x3F86];
	s0 =	simm.s32 @p0 $0x1  }
0x13: {  	[smem:$0x3FA1] =	sst s0;
	s0 =	simm.s32 @!p1 $0x0  }
0x14: {  	s2 =	sld [smem:$0x3F85];
	s0 =	simm.s32 @p1 $0x1  }
0x15: {  	[smem:$0x3FA2] =	sst s0;
	s0 =	simm.s32 @!p2 $0x0  }
0x16: {  	s3 =	sld [smem:$0x3FDB];
	s0 =	simm.s32 @p2 $0x1  }
0x17: {  	s4 =	simm.s32 $0x1BF5;
	[smem:$0x3FA4] =	sst s0  }
0x18: {  	s0 =	sld [smem:$0x3F87];
	_ =	swait.ge [sflag:s4], $0x0  }
0x19: {  	s7 =	sld [smem:$0x3F88]  }
0x1a: {  	s8 =	sadd.s32 $0xFFFFE003, lr  }
0x1b: {  	s9 =	sadd.s32 $0xFFFFFEF7, lr;
	s5 =	simm.s32 $0xFFFFFFFF;
	p2 =	slt.u32 s8, $0xFFFFF086  }
0x1c: {  	p1 =	slt.u32 s9, $0xF7A;
	s5 =	simm.s32 @!p2 $0x0  }
0x1d: {  	s5 =	simm.s32 @p1 $0x1;
	p0 =	seq.s32 s7, s2  }
0x1e: {  	s7 =	smul.u32 @!p0 $0xF7A, s2;
	p2 =	seq.s32 @!p0 s5, $0x0  }
0x1f: {  	s9 =	smul.u32 $0xF7A, s1;
	s8 =	simm.s32 @!p0 $0x1BF5;
	p2 =	por !p2, p0  }
0x20: {  	[sflag:s8] =	ssyncset.s32 @!p0 $0xFFFFF086;
	s6 =	sadd.s32 @!p0 s3, s7;
	s7 =	simm.s32 @!p0 $0x108  }
0x21: {  	s3 =	sadd.s32 s3, s9;
	s6 =	sadd.s32 @!p0 $0x88, s6;
	s7 =	simm.s32 @p2 $0x1082  }
0x22: {  	[simem:s7], [sflag:s8] =	dma.local @!p0 [hbm:s6], $0xF7A  }
0x23: {  	s9 =	sor.u32 $0xD0000000, s2;
	s6 =	simm.s32 $0x108;
	_ =	swait.ge @!p0 [sflag:s8], $0x0  }
0x24: {  	s3 =	sadd.s32 $0x88, s3;
	s6 =	simm.s32 @!p1 $0x1082;
	[sflag:s4] =	ssyncset.s32 $0xFFFFF086  }
0x25: {  	[simem:s6], [sflag:s4] =	dma.local [hbm:s3], $0xF7A  }
0x26: {  	[smem:$0x3F88] =	sst s1;
	(tag) =	ssettag s2;
	_ =	strace s9  }
0x27: {  	s1 =	sld [smem:$0x3F98]  }
0x28: {  	s2 =	sld [smem:$0x3F99]  }
0x29: {  	s4 =	sld [smem:$0x3F9B]  }
0x2a: {  	p0 =	seq.s32 s5, $0x0;
	s5 =	sld [smem:$0x3F9C]  }
0x2b: {  	s6 =	sld [smem:$0x3F9D]  }
0x2c: {  	s7 =	sld [smem:$0x3F9E]  }
0x2d: {  	s3 =	simm.s32 $0x108;
	s8 =	sld [smem:$0x3F9F]  }
0x2e: {  	s3 =	simm.s32 @!p0 $0x1082;
	s9 =	sld [smem:$0x3FA0]  }
0x2f: {  	lr =	sadd.s32 s0, s3;
	s0 =	sld [smem:$0x3F97]  }
0x30: {  	s3 =	sld [smem:$0x3F9A]  }
0x31: {  	[smem:$0x3FA3] =	sst s10  }
0x32: {  	s10 =	sld [smem:$0x3FA1];
	_ =	sdelay $0x3  }
0x33: {  	p0 =	seq.s32 s10, $0x1;
	s10 =	sld [smem:$0x3FA3];
	_ =	sdelay $0x3  }
0x34: {  	[smem:$0x3FA3] =	sst s10  }
0x35: {  	s10 =	sld [smem:$0x3FA2];
	_ =	sdelay $0x3  }
0x36: {  	p1 =	seq.s32 s10, $0x1;
	s10 =	sld [smem:$0x3FA3];
	_ =	sdelay $0x3  }
0x37: {  	[smem:$0x3FA3] =	sst s10  }
0x38: {  	s10 =	sld [smem:$0x3FA4]  }
0x39: {  	_ = 	snop;
	(pc) =	sbr.ind lr, $3  }
0x3a: {  	_ = 	snop  }
0x3b: {  	_ = 	snop  }
0x3c: {  	p2 =	seq.s32 s10, $0x1;
	s10 =	sld [smem:$0x3FA3]  }
0x3d: {  	_ =	shalt  }
0x3e: {  	_ =	shalt  }
0x3f: {  	_ =	shalt  }
0x40: {  	_ =	shalt  }
0x41: {  	_ =	shalt  }
0x42: {  	_ =	shalt  }
0x43: {  	_ =	shalt  }
0x44: {  	_ =	shalt  }
0x45: {  	_ =	shalt  }
0x46: {  	_ =	shalt  }
0x47: {  	_ =	shalt  }
0x48: {  	_ =	shalt  }
0x49: {  	_ =	shalt  }
0x4a: {  	_ =	shalt  }
0x4b: {  	_ =	shalt  }
0x4c: {  	_ =	shalt  }
0x4d: {  	_ =	shalt  }
0x4e: {  	_ =	shalt  }
0x4f: {  	_ =	shalt  }
0x50: {  	_ =	shalt  }
0x51: {  	_ =	shalt  }
0x52: {  	_ =	shalt  }
0x53: {  	_ =	shalt  }
0x54: {  	_ =	shalt  }
0x55: {  	_ =	shalt  }
0x56: {  	_ =	shalt  }
0x57: {  	_ =	shalt  }
0x58: {  	_ =	shalt  }
0x59: {  	_ =	shalt  }
0x5a: {  	_ =	shalt  }
0x5b: {  	_ =	shalt  }
0x5c: {  	_ =	shalt  }
0x5d: {  	_ =	shalt  }
0x5e: {  	_ =	shalt  }
0x5f: {  	_ =	shalt  }
0x60: {  	_ =	shalt  }
0x61: {  	_ =	shalt  }
0x62: {  	_ =	shalt  }
0x63: {  	_ =	shalt  }
0x64: {  	_ =	shalt  }
0x65: {  	_ =	shalt  }
0x66: {  	_ =	shalt  }
0x67: {  	_ =	shalt  }
0x68: {  	_ =	shalt  }
0x69: {  	_ =	shalt  }
0x6a: {  	_ =	shalt  }
0x6b: {  	_ =	shalt  }
0x6c: {  	_ =	shalt  }
0x6d: {  	_ =	shalt  }
0x6e: {  	_ =	shalt  }
0x6f: {  	_ =	shalt  }
0x70: {  	_ =	shalt  }
0x71: {  	_ =	shalt  }
0x72: {  	_ =	shalt  }
0x73: {  	_ =	shalt  }
0x74: {  	_ =	shalt  }
0x75: {  	_ =	shalt  }
0x76: {  	_ =	shalt  }
0x77: {  	_ =	shalt  }
0x78: {  	_ =	shalt  }
0x79: {  	_ =	shalt  }
0x7a: {  	_ =	shalt  }
0x7b: {  	_ =	shalt  }
0x7c: {  	_ =	shalt  }
0x7d: {  	_ =	shalt  }
0x7e: {  	_ =	shalt  }
0x7f: {  	_ =	shalt  }
0x80: {  	_ =	shalt  }
0x81: {  	_ =	shalt  }
0x82: {  	_ =	shalt  }
0x83: {  	_ =	shalt  }
0x84: {  	_ =	shalt  }
0x85: {  	_ =	shalt  }
0x86: {  	_ =	shalt  }
0x87: {  	_ =	shalt  }
.Lfunc_end0:
.L_simem_size_0:
called_computation_lowered:
.L_overlay_start_0:
0x88: {  	s2 =	sld [smem:$0x3FD9]  }
0x89: {  	s3 =	sld [smem:$0x3FFE];
	_ =	sdelay $0x1  }
0x8a: {  	s1 =	srdreg.scid  }
0x8b: {  	s0 =	sand.u32 $0x1, s1  }
0x8c: {  	s17 =	sshll.u32 s0, $0xA;
	s2 =	sadd.s32 s3, s2  }
0x8d: {  	s2 =	sadd.s32 s2, s17  }
0x8e: {  	[smem:$0x3FAF] =	sst s2  }
0x8f: {  	_ = 	snop  }
0x90: {  	s2 =	sld [smem:$0x3FD0];
	(tm) =	ssettm $0x1  }
0x91: {  	s18 =	sld [smem:$0x3FFB];
	_ =	sdelay $0x3  }
0x92: {  	_ =	strace s18  }
0x93: {  	s3 =	sld [smem:$0x3FFC];
	_ =	sdelay $0x3  }
0x94: {  	_ =	strace s3  }
0x95: {  	s3 =	sld [smem:$0x3FFD];
	_ =	sdelay $0x3  }
0x96: {  	_ =	strace s3  }
0x97: {  	_ =	strace $0x8FFFFFFF  }
0x98: {  	s19 =	sld [smem:$0x3FDB];
	_ =	sdelay $0x1  }
0x99: {  	s4 =	simm.s32 $_scs_section_size  }
0x9a: {  	s5 =	simm.s32 $_size__tile_overlayer_lowered;
	s6 =	simm.s32 $_tile_overlayer_lowered  }
0x9b: {  	s22 =	simm.s32 $0x1BFF;
	s21 =	sshll.u32 s6, $0x1;
	s3 =	sadd.s32 s4, s19  }
0x9c: {  	s7 =	simm.s32 $0x0;
	s20 =	sshll.u32 s5, $0x1;
	s5 =	sadd.s32 s21, s3  }
0x9d: {  	[timem:s7], [sflag:s22] =	dma.local [hbm:s5], s20  }
0x9e: {  	_ =	swait.ge [sflag:s22], s20  }
0x9f: {  	s4 =	ssub.s32 $0x0, s20;
	[sflag:s22] =	ssyncset.done $0x0  }
0xa0: {  	[sflag:s22] =	ssyncadd.s32 s4;
	_ =	sdelay $0x1  }
0xa1: {  	s23 =	simm.s32 $0x1B8B  }
0xa2: {  	_ =	swait.ge [sflag:s23], $0x1  }
0xa3: {  	[sflag:s23] =	ssyncset.done $0x0  }
0xa4: {  	s25 =	simm.s32 $0x1B8E;
	s24 =	sld [smem:$0x3FFE];
	[sflag:s23] =	ssyncadd.s32 $0xFFFFFFFF  }
0xa5: {  	s26 =	simm.s32 $execute0_lowered;
	[smem:$0x3FD2] =	sst s25  }
0xa6: {  	s5 =	sshll.u32 s26, $0x1;
	_ =	strace $0x80000046;
	[dreg:$0x1] =	wrdreg $0xFFFFFFFF  }
0xa7: {  	s28 =	simm.s32 $_size_execute0_lowered;
	s3 =	sadd.s32 s3, s5;
	[dreg:$0x0] =	wrdreg $0x0  }
0xa8: {  	s5 =	sshll.u32 s28, $0x1;
	[dreg:$0x2] =	wrdreg s3  }
0xa9: {  	[dreg:$0x3] =	wrdreg s5  }
0xaa: {  	[dreg:$0x4] =	wrdreg $0xC0  }
0xab: {  	_ =	task [dreg:s7], $0x5FFFF  }
0xac: {  	[dreg:$0x1] =	wrdreg $0xFFFFFFFF  }
0xad: {  	[dreg:$0x0] =	wrdreg $0x60  }
0xae: {  	[dreg:$0x2] =	wrdreg s24  }
0xaf: {  	[dreg:$0x3] =	wrdreg s2  }
0xb0: {  	[dreg:$0x4] =	wrdreg $0x82000  }
0xb1: {  	[dreg:$0x5] =	wrdreg $0x9  }
0xb2: {  	_ =	task.clear_ibuf [dreg:s7], $0x6FFFF;
	_ =	strace $0x90000046  }
0xb3: {  	s29 =	simm.s32 $0x9;
	_ =	strace $0x80000048  }
0xb4: {  	_ =	swait.ge [sflag:s29], $0x1  }
0xb5: {  	[sflag:s29] =	ssyncadd.s32 $0xFFFFFFFF  }
0xb6: {  	_ =	strace $0x90000048  }
0xb7: {  	_ =	sfence  }
0xb8: {  	s30 =	sld [smem:$0x0];
	_ =	sdelay $0x2  }
0xb9: {  	s31 =	sshll.u32 s1, $0xD;
	s1 =	sshrl.u32 s1, $0x2  }
0xba: {  	s3 =	sand.u32 $0x4000, s31;
	s1 =	sadd.s32 s1, s30  }
0xbb: {  	s0 =	sor.u32 s3, s0;
	s1 =	sshll.u32 s1, $0x11  }
0xbc: {  	s0 =	sor.u32 s1, s0  }
0xbd: {  	s0 =	sadd.s32 $0x8F2B, s0  }
0xbe: {  	[sflag:s0] =	ssyncadd.remote.s32 $0x1  }
0xbf: {  	_ =	sfence.sel $0xFFFF  }
0xc0: {  	[dreg:$0x0] =	wrdreg $0xFFFFFFFF;
	(pc) =	sbr.abs _section_cstart, $3  }
0xc1: {  	[dreg:$0x1] =	wrdreg $0xFFFFFFFF  }
0xc2: {  	_ =	task.clear_ibuf [dreg:s7], $0x2FFFF;
	_ =	strace $0x9FFFFFFF  }
0xc3: {  	(tm) =	ssettm $0x7FFFFFFF  }
tec
execute0_lowered:
.L_overlay_start_1:
0x0: {  	(tag) =	ssettag $0x1  }
0x1: {  	s0 =	rddreg [dreg:$0x0]  }
0x2: {  	s2 =	rddreg [dreg:$0x2];
	s3 =	stileid.u32  }
0x3: {  	s1 =	srdreg.scid;
	s4 =	simm.s32 $0x0;
	s8 =	smul.u32 $0x14000, s3  }
0x4: {  	s28 =	simm.s32 $0x3;
	s29 =	simm.s32 $0x2;
	s19 =	smul.u32 $0x50000, s3  }
0x5: {  	s30 =	simm.s32 $0x180;
	s1 =	sand.u32 $0x1, s1;
	s22 =	smul.u32 $0xA000, s3  }
0x6: {  	s31 =	simm.s32 $0x400;
	[smem:$0x7FF] =	sst s4;
	s7 =	smul.u32 $0x140000, s1  }
0x7: {  	s6 =	sshrl.u32 s3, $0x3;
	s5 =	sadd.s32 $0x5400, s0;
	s9 =	smul.u32 $0x28000, s1  }
0x8: {  	s18 =	sadd.s32 $0x53600, s0;
	s17 =	sshll.u32 s3, $0x7;
	s10 =	smul.u32 $0x14000, s6  }
0x9: {  	_ =	strace $0x80000047;
	s20 =	smul.u32 $0xA0000, s1;
	s1 =	ssub.s32 $0x2, s1  }
0xa: {  	s6 =	sadd.s32 $0x7B600, s0;
	s23 =	sshrl.u32 s19, $0x2;
	s24 =	sshrl.u32 s1, $0x1  }
0xb: {  	s19 =	simm.s32 $0x200;
	s7 =	sadd.s32 s8, s7;
	s9 =	sadd.s32 s9, s10  }
0xc: {  	s8 =	sand.u32 $0x380, s17;
	s16 =	sadd.s32 s22, s20;
	s1 =	ssub.s32 s1, s24  }
0xd: {  	s20 =	simm.s32 $0x5;
	s22 =	simm.s32 $0x80;
	s24 =	simm.s32 $0x4  }
0xe: {  	s7 =	sshrl.u32 s7, $0x3;
	s8 =	sor.u32 s8, s9;
	s11 =	sshrl.u32 s16, $0x3  }
0xf: {  	s25 =	sor.u32 $0x300, s16;
	s17 =	sor.u32 $0x200, s16;
	s16 =	smax.u32 s1, $0x1  }
0x10: {  	s14 =	sadd.s32 s7, s0;
	s21 =	sshrl.u32 s8, $0x3;
	s7 =	sadd.s32 s23, s2  }
0x11: {  	s11 =	sadd.s32 s18, s11;
	s26 =	sshrl.u32 s17, $0x3;
	s23 =	simm.s32 $0x100  }
0x12: {  	s0 =	sadd.s32 s21, s0;
	s8 =	sadd.s32 $0x4000, s7;
	s9 =	sadd.s32 $0x8000, s7  }
0x13: {  	s10 =	sadd.s32 $0xC000, s7;
	s12 =	sadd.s32 $0x10000, s7;
	s13 =	sadd.s32 $0x20, s11  }
0x14: {  	s14 =	sadd.s32 $0x85C00, s14;
	s15 =	sadd.s32 $0x7BC00, s0;
	s0 =	sshrl.u32 s25, $0x3  }
0x15: {  	s21 =	simm.s32 $0x1C200;
	s25 =	simm.s32 $0x4200;
	s17 =	sadd.s32 s0, s18  }
0x16: {  	v0 =	vimm.f32 $1.000000000e+00;
	s18 =	sadd.s32 s26, s18;
	s26 =	simm.s32 $0x1;
	s0 =	simm.s32 $0x0  }
.LBB2_1:
0x17: {  	s1 =	rddreg [dreg:$0x1]  }
0x18: {  	[tilespmem:s19], [sflag:$0x5] =	stream.linear.gather [hbm4b:s1+s4], $0x4000, $0x38;
	[tilespmem:$0x1EA00] =	vst v63  }
0x19: {  	_ =	swait.ge [sflag:s20], $0x4000  }
0x1a: {  	[sflag:s20] =	ssyncset.done $0x0  }
0x1b: {  	[sflag:s20] =	ssyncadd.s32 $0xFFFFC000  }
0x1c: {  	[spmem:s7] =	stream.linear.scatter [tilespmem:s19], [sflag:$0x5], $0x4000, $0x38;
	[tilespmem:$0x1EA00] =	vst v63  }
0x1d: {  	_ =	swait.ge [sflag:s20], $0x4000  }
0x1e: {  	[sflag:s20] =	ssyncset.done $0x0  }
0x1f: {  	[sflag:s20] =	ssyncadd.s32 $0xFFFFC000  }
0x20: {  	[spmem:s8] =	stream.linear.scatter [tilespmem:s19], [sflag:$0x5], $0x4000, $0x38;
	[tilespmem:$0x1EA00] =	vst v63  }
0x21: {  	_ =	swait.ge [sflag:s20], $0x4000  }
0x22: {  	[sflag:s20] =	ssyncset.done $0x0  }
0x23: {  	[sflag:s20] =	ssyncadd.s32 $0xFFFFC000  }
0x24: {  	[spmem:s9] =	stream.linear.scatter [tilespmem:s19], [sflag:$0x5], $0x4000, $0x38;
	[tilespmem:$0x1EA00] =	vst v63  }
0x25: {  	_ =	swait.ge [sflag:s20], $0x4000  }
0x26: {  	[sflag:s20] =	ssyncset.done $0x0  }
0x27: {  	[sflag:s20] =	ssyncadd.s32 $0xFFFFC000  }
0x28: {  	[spmem:s10] =	stream.linear.scatter [tilespmem:s19], [sflag:$0x5], $0x4000, $0x38;
	[tilespmem:$0x1EA00] =	vst v63  }
0x29: {  	_ =	swait.ge [sflag:s20], $0x4000  }
0x2a: {  	[sflag:s20] =	ssyncset.done $0x0  }
0x2b: {  	[sflag:s20] =	ssyncadd.s32 $0xFFFFC000  }
0x2c: {  	[spmem:s12] =	stream.linear.scatter [tilespmem:s19], [sflag:$0x5], $0x4000, $0x38;
	[tilespmem:$0x1EA00] =	vst v63  }
0x2d: {  	_ =	swait.ge [sflag:s20], $0x4000  }
0x2e: {  	[sflag:s20] =	ssyncset.done $0x0  }
0x2f: {  	[sflag:s20] =	ssyncadd.s32 $0xFFFFC000  }
0x30: {  	[tilespmem:s21], [sflag:$0x5] =	stream.linear.gather [hbm4b:s6+s4], $0x2800, $0x38;
	[tilespmem:$0x1EA00] =	vst v63  }
0x31: {  	_ =	swait.ge [sflag:s20], $0x2800  }
0x32: {  	[sflag:s20] =	ssyncset.done $0x0  }
0x33: {  	[sflag:s20] =	ssyncadd.s32 $0xFFFFD800  }
0x34: {  	[bflag:$0x0] =	sbarrier.arrive $0xFFFF  }
0x35: {  	[tilespmem:s4], [sflag:$0x5] =	stream.linear.gather [hbm4b:s11+s4], $0x100, $0x38;
	[tilespmem:$0x1EA00] =	vst v63  }
0x36: {  	_ =	swait.ge [sflag:s20], $0x100  }
0x37: {  	[sflag:s20] =	ssyncset.done $0x0  }
0x38: {  	[sflag:s20] =	ssyncadd.s32 $0xFFFFFF00  }
0x39: {  	[tilespmem:s19], [sflag:$0x1] =	stream.indirect.gather [hbm4b:s5+s22], $0x80, s4, s22, $0xb8;
	[tilespmem:$0x1EA00] =	vst v63  }
0x3a: {  	s1 =	simm.s32 $0x0  }
0x3b: {  	[tilespmem:s23], [sflag:$0x4] =	stream.linear.gather [hbm4b:s13+s4], $0x100, $0x38;
	[tilespmem:$0x1EA00] =	vst v63  }
.LBB2_2:
0x3c: {  	_ =	swait.ge [sflag:s24], $0x100  }
0x3d: {  	[sflag:s24] =	ssyncset.done $0x0  }
0x3e: {  	[sflag:s24] =	ssyncadd.s32 $0xFFFFFF00  }
0x3f: {  	[tilespmem:s25], [sflag:$0x2] =	stream.indirect.gather [hbm4b:s5+s22], $0x80, s23, s22, $0xb8;
	[tilespmem:$0x1EA00] =	vst v63  }
0x40: {  	v1 =	vld [tilespmem:$0x80];
	_ =	sdelay $0x7  }
0x41: {  	[tilespmem:v1+s21+$0x0] =	vst.idx.add.f32.msk $0xffff, v0  }
0x42: {  	v1 =	vld [tilespmem:$0x90];
	_ =	sdelay $0x7  }
0x43: {  	[tilespmem:v1+s21+$0x0] =	vst.idx.add.f32.msk $0xffff, v0  }
0x44: {  	v1 =	vld [tilespmem:$0xA0];
	_ =	sdelay $0x7  }
0x45: {  	[tilespmem:v1+s21+$0x0] =	vst.idx.add.f32.msk $0xffff, v0  }
0x46: {  	v1 =	vld [tilespmem:$0xB0];
	_ =	sdelay $0x7  }
0x47: {  	[tilespmem:v1+s21+$0x0] =	vst.idx.add.f32.msk $0xffff, v0  }
0x48: {  	v1 =	vld [tilespmem:$0xC0];
	_ =	sdelay $0x7  }
0x49: {  	[tilespmem:v1+s21+$0x0] =	vst.idx.add.f32.msk $0xffff, v0  }
0x4a: {  	v1 =	vld [tilespmem:$0xD0];
	_ =	sdelay $0x7  }
0x4b: {  	[tilespmem:v1+s21+$0x0] =	vst.idx.add.f32.msk $0xffff, v0  }
0x4c: {  	v1 =	vld [tilespmem:$0xE0];
	_ =	sdelay $0x7  }
0x4d: {  	[tilespmem:v1+s21+$0x0] =	vst.idx.add.f32.msk $0xffff, v0  }
0x4e: {  	v1 =	vld [tilespmem:$0xF0];
	_ =	sdelay $0x7  }
0x4f: {  	[tilespmem:v1+s21+$0x0] =	vst.idx.add.f32.msk $0xffff, v0  }
0x50: {  	_ =	swait.ge [sflag:s26], $0x4000  }
0x51: {  	[sflag:s26] =	ssyncset.done $0x0  }
0x52: {  	[sflag:s26] =	ssyncadd.s32 $0xFFFFC000  }
0x53: {  	[spmem:s2] =	stream.indirect.scatter.add.f32 [tilespmem:s19], [sflag:$0x5], $0x80, s22, s22, $0xb8;
	[tilespmem:$0x1EA00] =	vst v63  }
0x54: {  	_ =	swait.ge [sflag:s20], $0x4000  }
0x55: {  	[sflag:s20] =	ssyncset.done $0x0  }
0x56: {  	s3 =	sadd.s32 s1, s18;
	[sflag:s20] =	ssyncadd.s32 $0xFFFFC000  }
0x57: {  	[tilespmem:s4], [sflag:$0x3] =	stream.linear.gather [hbm4b:s3+s4], $0x100, $0x38;
	[tilespmem:$0x1EA00] =	vst v63  }
0x58: {  	_ =	swait.ge [sflag:s28], $0x100  }
0x59: {  	[sflag:s28] =	ssyncset.done $0x0  }
0x5a: {  	[sflag:s28] =	ssyncadd.s32 $0xFFFFFF00  }
0x5b: {  	[tilespmem:s19], [sflag:$0x1] =	stream.indirect.gather [hbm4b:s5+s22], $0x80, s4, s22, $0xb8;
	[tilespmem:$0x1EA00] =	vst v63  }
0x5c: {  	v1 =	vld [tilespmem:$0x180];
	_ =	sdelay $0x7  }
0x5d: {  	[tilespmem:v1+s21+$0x0] =	vst.idx.add.f32.msk $0xffff, v0  }
0x5e: {  	v1 =	vld [tilespmem:$0x190];
	_ =	sdelay $0x7  }
0x5f: {  	[tilespmem:v1+s21+$0x0] =	vst.idx.add.f32.msk $0xffff, v0  }
0x60: {  	v1 =	vld [tilespmem:$0x1A0];
	_ =	sdelay $0x7  }
0x61: {  	[tilespmem:v1+s21+$0x0] =	vst.idx.add.f32.msk $0xffff, v0  }
0x62: {  	v1 =	vld [tilespmem:$0x1B0];
	_ =	sdelay $0x7  }
0x63: {  	[tilespmem:v1+s21+$0x0] =	vst.idx.add.f32.msk $0xffff, v0  }
0x64: {  	v1 =	vld [tilespmem:$0x1C0];
	_ =	sdelay $0x7  }
0x65: {  	[tilespmem:v1+s21+$0x0] =	vst.idx.add.f32.msk $0xffff, v0  }
0x66: {  	v1 =	vld [tilespmem:$0x1D0];
	_ =	sdelay $0x7  }
0x67: {  	[tilespmem:v1+s21+$0x0] =	vst.idx.add.f32.msk $0xffff, v0  }
0x68: {  	v1 =	vld [tilespmem:$0x1E0];
	_ =	sdelay $0x7  }
0x69: {  	[tilespmem:v1+s21+$0x0] =	vst.idx.add.f32.msk $0xffff, v0  }
0x6a: {  	v1 =	vld [tilespmem:$0x1F0];
	_ =	sdelay $0x7  }
0x6b: {  	[tilespmem:v1+s21+$0x0] =	vst.idx.add.f32.msk $0xffff, v0  }
0x6c: {  	_ =	swait.ge [sflag:s29], $0x4000  }
0x6d: {  	[sflag:s29] =	ssyncset.done $0x0  }
0x6e: {  	p0 =	sne.s32 s1, $0x1380;
	[sflag:s29] =	ssyncadd.s32 $0xFFFFC000  }
0x6f: {  	[spmem:s2] =	stream.indirect.scatter.add.f32 [tilespmem:s25], [sflag:$0x5], $0x80, s30, s22, $0xb8;
	[tilespmem:$0x1EA00] =	vst v63  }
.Ltmp0:
0x70: {  	_ = 	snop;
	(pc) =	sbr.rel @p0 .LBB2_2-.Ltmp0, $4  }
0x71: {  	_ =	swait.ge [sflag:s20], $0x4000  }
0x72: {  	[sflag:s20] =	ssyncset.done $0x0  }
0x73: {  	s3 =	sadd.s32 s1, s17;
	s1 =	sadd.s32 $0x40, s1;
	[sflag:s20] =	ssyncadd.s32 $0xFFFFC000  }
0x74: {  	[tilespmem:s23], [sflag:$0x4] =	stream.linear.gather [hbm4b:s3+s4], $0x100, $0x38;
	[tilespmem:$0x1EA00] =	vst v63  }
0x75: {  	_ =	swait.ge [sflag:s26], $0x4000  }
0x76: {  	[sflag:s26] =	ssyncset.done $0x0  }
0x77: {  	[sflag:s26] =	ssyncadd.s32 $0xFFFFC000  }
0x78: {  	_ =	swait.ge [sflag:s24], $0x100  }
0x79: {  	s1 =	stileid.u32;
	[sflag:s24] =	ssyncset.done $0x0  }
0x7a: {  	s1 =	sshll.u32 s1, $0x6;
	[sflag:s24] =	ssyncadd.s32 $0xFFFFFF00  }
0x7b: {  	s3 =	sshrl.u32 s7, $0x3;
	s1 =	sor.u32 $0x1C05, s1;
	[bflag:$0x0] =	sbarrier.arrive $0xFFFF  }
0x7c: {  	[hbm:s14], [sflag:s1] =	dma.local [spmem:s3], $0x2800  }
0x7d: {  	s0 =	sadd.s32 $0x1, s0;
	_ =	swait.ge [sflag:s20], $0x2800  }
0x7e: {  	p0 =	sne.s32 s0, s16;
	[sflag:s20] =	ssyncset.done $0x0  }
.Ltmp1:
0x7f: {  	[sflag:s20] =	ssyncadd.s32 $0xFFFFD800;
	(pc) =	sbr.rel @p0 .LBB2_1-.Ltmp1, $4  }
0x80: {  	[hbm4b:s15+s22] =	stream.strided.scatter [tilespmem:s21], [sflag:$0x5], $0x2800, s31, s22, $0x38;
	[tilespmem:$0x1EA00] =	vst v63  }
0x81: {  	_ =	swait.ge [sflag:s20], $0x2800  }
0x82: {  	[sflag:s20] =	ssyncset.done $0x0  }
0x83: {  	[sflag:s20] =	ssyncadd.s32 $0xFFFFD800  }
0x84: {  	_ =	sfence.sel $0x180000  }
0x85: {  	[bflag:$0x0] =	sbarrier.arrive $0xFFFF  }
0x86: {  	_ =	strace $0x90000047  }
0x87: {  	s0 =	stileid.u32;
	[bflag:$0x2] =	sbarrier.arrive $0xFFFF  }
0x88: {  	p0 =	sne.s32 s0, $0x0;
	s0 =	rddreg [dreg:$0x3]  }
0x89: {  	s0 =	sadd.s32 @!p0 $0x100000, s0  }
0x8a: {  	[sflag:s0] =	ssyncadd.tile.s32 @!p0 $0x1;
	_ =	shalt  }
.Lfunc_end2:
_tile_overlayer_lowered:
.L_overlay_start_2:
0x8b: {  	(tag) =	ssettag $0x2  }
0x8c: {  	s0 =	rddreg [dreg:$0x0];
	s2 =	stileid.u32  }
0x8d: {  	s1 =	rddreg [dreg:$0x1];
	p0 =	sne.s32 s2, $0x0  }
0x8e: {  	s3 =	rddreg [dreg:$0x2];
	[bflag:$0x3] =	sbarrier.arrive $0xFFFF;
	s2 =	simm.s32 @!p0 $0x1C05  }
0x8f: {  	[timem:s3], [sflag:s2] =	dma.local @!p0 [hbm:s0], s1  }
0x90: {  	s0 =	simm.s32 @!p0 $0x5  }
0x91: {  	_ =	swait.ge @!p0 [sflag:s0], s1  }
0x92: {  	s1 =	ssub.s32 @!p0 $0x0, s1;
	[sflag:s0] =	ssyncset.done @!p0 $0x0  }
0x93: {  	[sflag:s0] =	ssyncadd.s32 @!p0 s1  }
0x94: {  	[bflag:$0x3] =	sbarrier.arrive $0xFFFF  }
0x95: {  	_ =	shalt  }

</sc_bundles>
